<compile_context>
chip_gen: v7x
topology: tpu7x:2x2x1
jax: 0.10.2.dev20260603
libtpu: 0.0.44.dev20260713+nightly
codegen_flags: <defaults>
</compile_context>

<pallas_src>
import jax
import jax.numpy as jnp
from jax import lax
from jax.experimental import pallas as pl
from jax.experimental.pallas import tpu as pltpu
from jax.experimental.pallas import tpu_sc as plsc

NA = 10000
NN = 32
NG = 25
NF = 128
NE = NA * NN

SC_CORES = 2
SC_SUBCORES = 16
NW = SC_CORES * SC_SUBCORES
CHUNK = 128
NFULL = NA // CHUNK
NAAL = NFULL * CHUNK
TAIL = NA - NAAL
NBUF = 6

A_BLK = 512
N_BLKS = (NA + A_BLK - 1) // A_BLK


def _prep_body(x_ref, win_ref, wfn1_ref, wfn2_ref, bfn1_ref, bfn2_ref,
               nbt_ref, y_ref, wf_ref, bf_ref, nbtail_ref):
    y_ref[...] = jnp.dot(x_ref[...], win_ref[...],
                         preferred_element_type=jnp.float32)
    wf_ref[...] = jnp.dot(wfn1_ref[...], wfn2_ref[...],
                          preferred_element_type=jnp.float32)
    bf_ref[...] = (jnp.dot(bfn1_ref[...], wfn2_ref[...],
                           preferred_element_type=jnp.float32)
                   + bfn2_ref[...])
    tail = nbt_ref[:, NAAL:]
    nbtail_ref[...] = jnp.concatenate(
        [tail, jnp.zeros((NN, CHUNK - TAIL), jnp.int32)], axis=1)


def _sc_gather_body(y_hbm, nbt_hbm, nbtail_hbm, out_hbm, nbs, idx_v, tailb,
                    buf0, buf1, buf2, buf3, buf4, buf5,
                    g0, g1, g2, g3, g4, g5, d0, d1, d2, d3, d4, d5):
    wid = lax.axis_index("s") * SC_CORES + lax.axis_index("c")
    @pl.when(lax.axis_index("s") == 0)
    def _():
        pltpu.sync_copy(nbt_hbm.at[:, pl.ds(0, NAAL)], nbs)

    plsc.subcore_barrier()
    pltpu.sync_copy(nbs.at[pl.ds(wid, 1)], idx_v)
    pltpu.sync_copy(nbtail_hbm.at[pl.ds(8 * (wid // 8), 8)], tailb)
    r = wid % 8

    bufs = (buf0, buf1, buf2, buf3, buf4, buf5)
    gsem = (g0, g1, g2, g3, g4, g5)
    dsem = (d0, d1, d2, d3, d4, d5)

    def start_gather(u, b):
        pltpu.async_copy(y_hbm.at[idx_v.at[0, pl.ds(u * CHUNK, CHUNK)]],
                         bufs[b], gsem[b])

    def wait_gather(b):
        pltpu.make_async_copy(y_hbm.at[idx_v.at[0, pl.ds(0, CHUNK)]],
                              bufs[b], gsem[b]).wait()

    def start_drain(u, b):
        pltpu.async_copy(bufs[b], out_hbm.at[wid, pl.ds(u * CHUNK, CHUNK)],
                         dsem[b])

    def wait_drain(b):
        pltpu.make_async_copy(bufs[b], out_hbm.at[wid, pl.ds(0, CHUNK)],
                              dsem[b]).wait()

    assert NFULL % NBUF == 0
    for k in range(NBUF // 2):
        start_gather(k, k)

    @pl.loop(0, NFULL, step=NBUF)
    def _(g):
        for b in range(NBUF):
            c = g + b
            wait_gather(b)
            start_drain(c, b)
            nb_ = (b + 3) % NBUF

            if b < 3:
                @pl.when(c >= 3)
                def _():
                    wait_drain(nb_)
            else:
                wait_drain(nb_)

            @pl.when(c + 3 < NFULL)
            def _():
                start_gather(c + 3, nb_)

    for k in range(NBUF // 2):
        wait_drain((NFULL - 3 + k) % NBUF)

    pltpu.async_copy(y_hbm.at[tailb.at[r, pl.ds(0, TAIL)]],
                     buf0.at[pl.ds(0, TAIL)], g0)
    pltpu.make_async_copy(y_hbm.at[tailb.at[r, pl.ds(0, TAIL)]],
                          buf0.at[pl.ds(0, TAIL)], g0).wait()
    pltpu.sync_copy(buf0.at[pl.ds(0, TAIL)],
                    out_hbm.at[wid, pl.ds(NAAL, TAIL)])


def _main_body(ft_ref, yg_ref, wf_ref, bf_ref, wout_ref, bout_ref, o_ref):
    bf = bf_ref[...]
    acc = jnp.zeros((A_BLK, NF), dtype=jnp.float32)
    for n in range(NN):
        fn = ft_ref[:, n, :]
        wn = lax.dot_general(fn, wf_ref[...], (((0,), (0,)), ((), ())),
                             preferred_element_type=jnp.float32)
        acc = acc + (wn + bf) * yg_ref[n]
    o_ref[...] = (jnp.dot(acc, wout_ref[...],
                          preferred_element_type=jnp.float32)
                  + bout_ref[...])


def kernel(x, r_ij, neighbors, pairwise_mask, f_ij, Wfn1, bfn1, Wfn2, bfn2,
           Win, Wout, bout):
    del r_ij, pairwise_mask
    x2 = x.reshape(NA, NF)
    ft = jnp.transpose(f_ij.reshape(NA, NN, NG), (2, 1, 0))
    nbt = jnp.transpose(neighbors.reshape(NA, NN), (1, 0))

    y, wf, bf, nbtail = pl.pallas_call(
        _prep_body,
        out_shape=(
            jax.ShapeDtypeStruct((NA, NF), jnp.float32),
            jax.ShapeDtypeStruct((NG, NF), jnp.float32),
            jax.ShapeDtypeStruct((1, NF), jnp.float32),
            jax.ShapeDtypeStruct((NN, CHUNK), jnp.int32),
        ),
    )(x2, Win, Wfn1, Wfn2, bfn1.reshape(1, NF), bfn2.reshape(1, NF), nbt)

    mesh = plsc.VectorSubcoreMesh(core_axis_name="c", subcore_axis_name="s")
    ygath = pl.kernel(
        _sc_gather_body,
        out_type=jax.ShapeDtypeStruct((NN, NA, NF), jnp.float32),
        mesh=mesh,
        scratch_types=(
            [pltpu.VMEM_SHARED((NN, NAAL), jnp.int32),
             pltpu.VMEM((1, NAAL), jnp.int32),
             pltpu.VMEM((8, CHUNK), jnp.int32)]
            + [pltpu.VMEM((CHUNK, NF), jnp.float32)] * NBUF
            + [pltpu.SemaphoreType.DMA] * (2 * NBUF)
        ),
    )(y, nbt, nbtail)

    out = pl.pallas_call(
        _main_body,
        grid=(N_BLKS,),
        in_specs=[
            pl.BlockSpec((NG, NN, A_BLK), lambda i: (0, 0, i)),
            pl.BlockSpec((NN, A_BLK, NF), lambda i: (0, i, 0)),
            pl.BlockSpec((NG, NF), lambda i: (0, 0)),
            pl.BlockSpec((1, NF), lambda i: (0, 0)),
            pl.BlockSpec((NF, NF), lambda i: (0, 0)),
            pl.BlockSpec((1, NF), lambda i: (0, 0)),
        ],
        out_specs=pl.BlockSpec((A_BLK, NF), lambda i: (i, 0)),
        out_shape=jax.ShapeDtypeStruct((NA, NF), jnp.float32),
    )(ft, ygath, wf, bf, Wout, bout.reshape(1, NF))

    return out.reshape(1, NA, NF)

# --- scband reference (transcript-rebuilt; emitter-appended) ---
"""Pipeline reference for scband-cfconv-6932077216272 (READ-ONLY COPY).

The authoritative reference and input builder live on the scoring server;
editing this copy changes nothing except your own understanding.
"""

import jax, jax.numpy as jnp
import numpy as np

NB, NA, NN = 1, 10000, 32
N_IN, N_FILTERS, N_OUT, N_G = 128, 128, 128, 25


def setup_inputs(seed: int = 0) -> dict:
    key = jax.random.key(seed)
    ks = jax.random.split(key, 12)
    x = jax.random.normal(ks[0], (NB, NA, N_IN), dtype=jnp.float32)
    r_ij = jax.random.uniform(ks[1], (NB, NA, NN), dtype=jnp.float32)
    neighbors = jax.random.randint(ks[2], (NB, NA, NN), 0, NA, dtype=jnp.int32)
    pairwise_mask = jnp.ones((NB, NA, NN), dtype=jnp.float32)
    f_ij = jax.random.normal(ks[3], (NB, NA, NN, N_G), dtype=jnp.float32)
    # learned parameters
    Wfn1 = jax.random.normal(ks[4], (N_G, N_FILTERS), dtype=jnp.float32) * (1.0 / np.sqrt(N_G))
    bfn1 = jnp.zeros((N_FILTERS,), dtype=jnp.float32)
    Wfn2 = jax.random.normal(ks[5], (N_FILTERS, N_FILTERS), dtype=jnp.float32) * (1.0 / np.sqrt(N_FILTERS))
    bfn2 = jnp.zeros((N_FILTERS,), dtype=jnp.float32)
    Win = jax.random.normal(ks[6], (N_IN, N_FILTERS), dtype=jnp.float32) * (1.0 / np.sqrt(N_IN))
    Wout = jax.random.normal(ks[7], (N_FILTERS, N_OUT), dtype=jnp.float32) * (1.0 / np.sqrt(N_FILTERS))
    bout = jnp.zeros((N_OUT,), dtype=jnp.float32)
    return {"x": x, "r_ij": r_ij, "neighbors": neighbors, "pairwise_mask": pairwise_mask,
            "f_ij": f_ij, "Wfn1": Wfn1, "bfn1": bfn1, "Wfn2": Wfn2, "bfn2": bfn2,
            "Win": Win, "Wout": Wout, "bout": bout}


def reference(x, r_ij, neighbors, pairwise_mask, f_ij, Wfn1, bfn1, Wfn2, bfn2, Win, Wout, bout):
    # filter_network = Sequential(Linear(25,128), Linear(128,128))
    W = jnp.dot(f_ij, Wfn1) + bfn1
    W = jnp.dot(W, Wfn2) + bfn2
    # cutoff_network is None -> no cutoff modulation
    # in2f: Dense(n_in, n_filters, bias=False)
    y = jnp.dot(x, Win)
    nb, na, nn = neighbors.shape
    nf = y.shape[-1]
    nbh = neighbors.reshape(nb, na * nn, 1)
    nbh = jnp.broadcast_to(nbh, (nb, na * nn, nf))
    y = jnp.take_along_axis(y, nbh, axis=1)
    y = y.reshape(nb, na, nn, nf)
    # elementwise filter
    y = y * W
    # Aggregate(axis=2, mean=False) with pairwise mask
    y = y * pairwise_mask[..., None]
    y = jnp.sum(y, axis=2)
    # f2out: Dense(n_filters, n_out, bias=True), activation=None
    y = jnp.dot(y, Wout) + bout
    return y

if __name__ == "__main__":
    import jax
    _d = setup_inputs()
    print(jax.jit(kernel)(*tuple(_d.values())))

</pallas_src>

<mosaic_0001>
#map = affine_map<(d0, d1) -> (0, 0)>
#map1 = affine_map<(d0, d1) -> (0, 0, 0)>
module attributes {stable_mosaic.version = 14 : i64} {
  func.func @_sc_gather_body(%arg0: i32, %arg1: i32, %arg2: memref<10000x128xf32, #tpu.memory_space<hbm>>, %arg3: memref<32x10000xi32, #tpu.memory_space<hbm>>, %arg4: memref<32x128xi32, #tpu.memory_space<hbm>>, %arg5: memref<32x10000x128xf32, #tpu.memory_space<hbm>>, %arg6: memref<32x9984xi32, #tpu.memory_space<vmem_shared>>, %arg7: memref<1x9984xi32, #tpu.memory_space<vmem>>, %arg8: memref<8x128xi32, #tpu.memory_space<vmem>>, %arg9: memref<128x128xf32, #tpu.memory_space<vmem>>, %arg10: memref<128x128xf32, #tpu.memory_space<vmem>>, %arg11: memref<128x128xf32, #tpu.memory_space<vmem>>, %arg12: memref<128x128xf32, #tpu.memory_space<vmem>>, %arg13: memref<128x128xf32, #tpu.memory_space<vmem>>, %arg14: memref<128x128xf32, #tpu.memory_space<vmem>>, %arg15: memref<!tpu.dma_semaphore, #tpu.memory_space<semaphore_mem>>, %arg16: memref<!tpu.dma_semaphore, #tpu.memory_space<semaphore_mem>>, %arg17: memref<!tpu.dma_semaphore, #tpu.memory_space<semaphore_mem>>, %arg18: memref<!tpu.dma_semaphore, #tpu.memory_space<semaphore_mem>>, %arg19: memref<!tpu.dma_semaphore, #tpu.memory_space<semaphore_mem>>, %arg20: memref<!tpu.dma_semaphore, #tpu.memory_space<semaphore_mem>>, %arg21: memref<!tpu.dma_semaphore, #tpu.memory_space<semaphore_mem>>, %arg22: memref<!tpu.dma_semaphore, #tpu.memory_space<semaphore_mem>>, %arg23: memref<!tpu.dma_semaphore, #tpu.memory_space<semaphore_mem>>, %arg24: memref<!tpu.dma_semaphore, #tpu.memory_space<semaphore_mem>>, %arg25: memref<!tpu.dma_semaphore, #tpu.memory_space<semaphore_mem>>, %arg26: memref<!tpu.dma_semaphore, #tpu.memory_space<semaphore_mem>>) attributes {dimension_semantics = [#tpu.dimension_semantics<core_parallel>, #tpu.dimension_semantics<subcore_parallel>], iteration_bounds = array<i64: 2, 16>, scalar_prefetch = 0 : i64, scratch_operands = 21 : i64, tpu.core_type = #tpu.core_type<sc_vector_subcore>, window_params = [{transform_indices = #map}, {transform_indices = #map}, {transform_indices = #map}, {transform_indices = #map1}]} {
    %mul3A = arith.constant 2 : i32
    %mul3A_0 = arith.muli %arg1, %mul3A : i32
    %add3A = arith.addi %mul3A_0, %arg0 : i32
    %eq3A = arith.constant 0 : i32
    %eq3A_1 = arith.cmpi eq, %arg1, %eq3A : i32
    %convert_element_type3A = arith.extui %eq3A_1 : i1 to i32
    %cond3A = arith.constant 0 : i32
    %cond3A_2 = arith.cmpi ne, %convert_element_type3A, %cond3A : i32
    scf.if %cond3A_2 {
      "tpu.region"() ({
        %run_scoped3A = tpu.sem_alloc : memref<!tpu.dma_semaphore, #tpu.memory_space<semaphore_mem>>
        %dma_start3A_101 = arith.constant 0 : i32
        %dma_start3A_102 = arith.constant 0 : i32
        %dma_start3A_103 = tpu.memref_slice %arg3[%dma_start3A_101, %dma_start3A_102] : memref<32x10000xi32, #tpu.memory_space<hbm>> -> memref<32x9984xi32, #tpu.memory_space<hbm>>
        tpu.enqueue_dma source(%dma_start3A_103 : memref<32x9984xi32, #tpu.memory_space<hbm>>) target(%arg6 : memref<32x9984xi32, #tpu.memory_space<vmem_shared>>) target_semaphore(%run_scoped3A : memref<!tpu.dma_semaphore, #tpu.memory_space<semaphore_mem>>)
        %dma_wait3A_104 = arith.constant 0 : i32
        %dma_wait3A_105 = arith.constant 0 : i32
        %dma_wait3A_106 = tpu.memref_slice %arg3[%dma_wait3A_104, %dma_wait3A_105] : memref<32x10000xi32, #tpu.memory_space<hbm>> -> memref<32x9984xi32, #tpu.memory_space<hbm>>
        tpu.wait_dma2 semaphore(%run_scoped3A : memref<!tpu.dma_semaphore, #tpu.memory_space<semaphore_mem>>) src(%dma_wait3A_106 : memref<32x9984xi32, #tpu.memory_space<hbm>>) dst(%arg6 : memref<32x9984xi32, #tpu.memory_space<vmem_shared>>)
        tpu.yield
      }) : () -> ()
    } else {
    }
    %barrier3A = arith.constant 0 : index
    tpu.barrier barrier_id(%barrier3A)
    "tpu.region"() ({
      %run_scoped3A = tpu.sem_alloc : memref<!tpu.dma_semaphore, #tpu.memory_space<semaphore_mem>>
      %dma_start3A_101 = arith.constant 0 : i32
      %dma_start3A_102 = tpu.memref_slice %arg6[%add3A, %dma_start3A_101] : memref<32x9984xi32, #tpu.memory_space<vmem_shared>> -> memref<1x9984xi32, #tpu.memory_space<vmem_shared>>
      %dma_start3A_103 = arith.constant 0 : i32
      %dma_start3A_104 = tpu.memref_slice %arg6[%add3A, %dma_start3A_103] : memref<32x9984xi32, #tpu.memory_space<vmem_shared>> -> memref<1x9984xi32, #tpu.memory_space<vmem_shared>>
      tpu.enqueue_dma source(%dma_start3A_104 : memref<1x9984xi32, #tpu.memory_space<vmem_shared>>) target(%arg7 : memref<1x9984xi32, #tpu.memory_space<vmem>>) target_semaphore(%run_scoped3A : memref<!tpu.dma_semaphore, #tpu.memory_space<semaphore_mem>>)
      %dma_wait3A_105 = arith.constant 0 : i32
      %dma_wait3A_106 = tpu.memref_slice %arg6[%add3A, %dma_wait3A_105] : memref<32x9984xi32, #tpu.memory_space<vmem_shared>> -> memref<1x9984xi32, #tpu.memory_space<vmem_shared>>
      %dma_wait3A_107 = arith.constant 0 : i32
      %dma_wait3A_108 = tpu.memref_slice %arg6[%add3A, %dma_wait3A_107] : memref<32x9984xi32, #tpu.memory_space<vmem_shared>> -> memref<1x9984xi32, #tpu.memory_space<vmem_shared>>
      tpu.wait_dma2 semaphore(%run_scoped3A : memref<!tpu.dma_semaphore, #tpu.memory_space<semaphore_mem>>) src(%dma_wait3A_108 : memref<1x9984xi32, #tpu.memory_space<vmem_shared>>) dst(%arg7 : memref<1x9984xi32, #tpu.memory_space<vmem>>)
      tpu.yield
    }) : () -> ()
    %jit3A = arith.constant 8 : i32
    %div3A = arith.divsi %add3A, %jit3A : i32
    %sign3A = arith.constant 0 : i32
    %sign3A_3 = arith.cmpi sgt, %add3A, %sign3A : i32
    %sign3A_4 = arith.extui %sign3A_3 : i1 to i32
    %sign3A_5 = arith.constant 0 : i32
    %sign3A_6 = arith.cmpi slt, %add3A, %sign3A_5 : i32
    %sign3A_7 = arith.extui %sign3A_6 : i1 to i32
    %sign3A_8 = arith.subi %sign3A_4, %sign3A_7 : i32
    %sign3A_9 = arith.constant 0 : i32
    %sign3A_10 = arith.cmpi sgt, %jit3A, %sign3A_9 : i32
    %sign3A_11 = arith.extui %sign3A_10 : i1 to i32
    %sign3A_12 = arith.constant 0 : i32
    %sign3A_13 = arith.cmpi slt, %jit3A, %sign3A_12 : i32
    %sign3A_14 = arith.extui %sign3A_13 : i1 to i32
    %sign3A_15 = arith.subi %sign3A_11, %sign3A_14 : i32
    %ne3A = arith.cmpi ne, %sign3A_8, %sign3A_15 : i32
    %rem3A = arith.remsi %add3A, %jit3A : i32
    %ne3A_16 = arith.constant 0 : i32
    %ne3A_17 = arith.cmpi ne, %rem3A, %ne3A_16 : i32
    %and3A = arith.andi %ne3A, %ne3A_17 : i1
    %sub3A = arith.constant 1 : i32
    %sub3A_18 = arith.subi %div3A, %sub3A : i32
    %select_n3A = arith.select %and3A, %sub3A_18, %div3A : i32
    %mul3A_19 = arith.constant 8 : i32
    %mul3A_20 = arith.muli %mul3A_19, %select_n3A : i32
    "tpu.region"() ({
      %run_scoped3A = tpu.sem_alloc : memref<!tpu.dma_semaphore, #tpu.memory_space<semaphore_mem>>
      %dma_start3A_101 = arith.constant 0 : i32
      %dma_start3A_102 = tpu.memref_slice %arg4[%mul3A_20, %dma_start3A_101] : memref<32x128xi32, #tpu.memory_space<hbm>> -> memref<8x128xi32, #tpu.memory_space<hbm>>
      %dma_start3A_103 = arith.constant 0 : i32
      %dma_start3A_104 = tpu.memref_slice %arg4[%mul3A_20, %dma_start3A_103] : memref<32x128xi32, #tpu.memory_space<hbm>> -> memref<8x128xi32, #tpu.memory_space<hbm>>
      tpu.enqueue_dma source(%dma_start3A_104 : memref<8x128xi32, #tpu.memory_space<hbm>>) target(%arg8 : memref<8x128xi32, #tpu.memory_space<vmem>>) target_semaphore(%run_scoped3A : memref<!tpu.dma_semaphore, #tpu.memory_space<semaphore_mem>>)
      %dma_wait3A_105 = arith.constant 0 : i32
      %dma_wait3A_106 = tpu.memref_slice %arg4[%mul3A_20, %dma_wait3A_105] : memref<32x128xi32, #tpu.memory_space<hbm>> -> memref<8x128xi32, #tpu.memory_space<hbm>>
      %dma_wait3A_107 = arith.constant 0 : i32
      %dma_wait3A_108 = tpu.memref_slice %arg4[%mul3A_20, %dma_wait3A_107] : memref<32x128xi32, #tpu.memory_space<hbm>> -> memref<8x128xi32, #tpu.memory_space<hbm>>
      tpu.wait_dma2 semaphore(%run_scoped3A : memref<!tpu.dma_semaphore, #tpu.memory_space<semaphore_mem>>) src(%dma_wait3A_108 : memref<8x128xi32, #tpu.memory_space<hbm>>) dst(%arg8 : memref<8x128xi32, #tpu.memory_space<vmem>>)
      tpu.yield
    }) : () -> ()
    %jit3A_21 = arith.constant 8 : i32
    %eq3A_22 = arith.constant 0 : i32
    %eq3A_23 = arith.cmpi eq, %jit3A_21, %eq3A_22 : i32
    %jit3A_24 = arith.constant 1 : i32
    %select_n3A_25 = arith.select %eq3A_23, %jit3A_24, %jit3A_21 : i32
    %rem3A_26 = arith.remsi %add3A, %select_n3A_25 : i32
    %ne3A_27 = arith.constant 0 : i32
    %ne3A_28 = arith.cmpi ne, %rem3A_26, %ne3A_27 : i32
    %lt3A = arith.constant 0 : i32
    %lt3A_29 = arith.cmpi slt, %rem3A_26, %lt3A : i32
    %lt3A_30 = arith.constant 0 : i32
    %lt3A_31 = arith.cmpi slt, %select_n3A_25, %lt3A_30 : i32
    %ne3A_32 = arith.xori %lt3A_29, %lt3A_31 : i1
    %and3A_33 = arith.andi %ne3A_32, %ne3A_28 : i1
    %add3A_34 = arith.addi %rem3A_26, %select_n3A_25 : i32
    %select_n3A_35 = arith.select %and3A_33, %add3A_34, %rem3A_26 : i32
    %dma_start3A = arith.constant 0 : i32
    %dma_start3A_36 = arith.constant 0 : i32
    %dma_start3A_37 = tpu.memref_slice %arg7[%dma_start3A, %dma_start3A_36] : memref<1x9984xi32, #tpu.memory_space<vmem>> -> memref<1x128xi32, #tpu.memory_space<vmem>>
    %dma_start3A_38 = tpu.memref_squeeze %dma_start3A_37 : memref<1x128xi32, #tpu.memory_space<vmem>> -> memref<128xi32, #tpu.memory_space<vmem>>
    %dma_start3A_39 = arith.constant 0 : i32
    %dma_start3A_40 = arith.constant 0 : i32
    %dma_start3A_41 = tpu.memref_slice %arg2[%dma_start3A_39, %dma_start3A_40] : memref<10000x128xf32, #tpu.memory_space<hbm>> -> memref<10000x128xf32, #tpu.memory_space<hbm>>
    tpu.enqueue_indirect_dma source(%dma_start3A_41 : memref<10000x128xf32, #tpu.memory_space<hbm>>) target(%arg9 : memref<128x128xf32, #tpu.memory_space<vmem>>) offsets(%dma_start3A_38 : memref<128xi32, #tpu.memory_space<vmem>>) semaphore(%arg15 : memref<!tpu.dma_semaphore, #tpu.memory_space<semaphore_mem>>)
    %dma_start3A_42 = arith.constant 0 : i32
    %dma_start3A_43 = arith.constant 128 : i32
    %dma_start3A_44 = tpu.memref_slice %arg7[%dma_start3A_42, %dma_start3A_43] : memref<1x9984xi32, #tpu.memory_space<vmem>> -> memref<1x128xi32, #tpu.memory_space<vmem>>
    %dma_start3A_45 = tpu.memref_squeeze %dma_start3A_44 : memref<1x128xi32, #tpu.memory_space<vmem>> -> memref<128xi32, #tpu.memory_space<vmem>>
    %dma_start3A_46 = arith.constant 0 : i32
    %dma_start3A_47 = arith.constant 0 : i32
    %dma_start3A_48 = tpu.memref_slice %arg2[%dma_start3A_46, %dma_start3A_47] : memref<10000x128xf32, #tpu.memory_space<hbm>> -> memref<10000x128xf32, #tpu.memory_space<hbm>>
    tpu.enqueue_indirect_dma source(%dma_start3A_48 : memref<10000x128xf32, #tpu.memory_space<hbm>>) target(%arg10 : memref<128x128xf32, #tpu.memory_space<vmem>>) offsets(%dma_start3A_45 : memref<128xi32, #tpu.memory_space<vmem>>) semaphore(%arg16 : memref<!tpu.dma_semaphore, #tpu.memory_space<semaphore_mem>>)
    %dma_start3A_49 = arith.constant 0 : i32
    %dma_start3A_50 = arith.constant 256 : i32
    %dma_start3A_51 = tpu.memref_slice %arg7[%dma_start3A_49, %dma_start3A_50] : memref<1x9984xi32, #tpu.memory_space<vmem>> -> memref<1x128xi32, #tpu.memory_space<vmem>>
    %dma_start3A_52 = tpu.memref_squeeze %dma_start3A_51 : memref<1x128xi32, #tpu.memory_space<vmem>> -> memref<128xi32, #tpu.memory_space<vmem>>
    %dma_start3A_53 = arith.constant 0 : i32
    %dma_start3A_54 = arith.constant 0 : i32
    %dma_start3A_55 = tpu.memref_slice %arg2[%dma_start3A_53, %dma_start3A_54] : memref<10000x128xf32, #tpu.memory_space<hbm>> -> memref<10000x128xf32, #tpu.memory_space<hbm>>
    tpu.enqueue_indirect_dma source(%dma_start3A_55 : memref<10000x128xf32, #tpu.memory_space<hbm>>) target(%arg11 : memref<128x128xf32, #tpu.memory_space<vmem>>) offsets(%dma_start3A_52 : memref<128xi32, #tpu.memory_space<vmem>>) semaphore(%arg17 : memref<!tpu.dma_semaphore, #tpu.memory_space<semaphore_mem>>)
    %scan3A = arith.constant 0 : i32
    %scan3A_56 = arith.constant 13 : i32
    %scan3A_57 = arith.addi %scan3A, %scan3A_56 : i32
    %scan3A_58 = arith.constant 1 : i32
    scf.for %scan3A_101 = %scan3A to %scan3A_57 step %scan3A_58  : i32 {
      %mul3A_102 = arith.constant 6 : i32
      %mul3A_103 = arith.muli %scan3A_101, %mul3A_102 : i32
      %add3A_104 = arith.constant 0 : i32
      %add3A_105 = arith.addi %add3A_104, %mul3A_103 : i32
      %add3A_106 = arith.constant 0 : i32
      %add3A_107 = arith.addi %add3A_105, %add3A_106 : i32
      %dma_wait3A_108 = arith.constant 0 : i32
      %dma_wait3A_109 = arith.constant 0 : i32
      %dma_wait3A_110 = tpu.memref_slice %arg7[%dma_wait3A_108, %dma_wait3A_109] : memref<1x9984xi32, #tpu.memory_space<vmem>> -> memref<1x128xi32, #tpu.memory_space<vmem>>
      %dma_wait3A_111 = tpu.memref_squeeze %dma_wait3A_110 : memref<1x128xi32, #tpu.memory_space<vmem>> -> memref<128xi32, #tpu.memory_space<vmem>>
      %dma_wait3A_112 = arith.constant 0 : i32
      %dma_wait3A_113 = arith.constant 0 : i32
      %dma_wait3A_114 = tpu.memref_slice %arg2[%dma_wait3A_112, %dma_wait3A_113] : memref<10000x128xf32, #tpu.memory_space<hbm>> -> memref<10000x128xf32, #tpu.memory_space<hbm>>
      tpu.wait_indirect_dma semaphore(%arg15 : memref<!tpu.dma_semaphore, #tpu.memory_space<semaphore_mem>>) src(%dma_wait3A_114 : memref<10000x128xf32, #tpu.memory_space<hbm>>) dst(%arg9 : memref<128x128xf32, #tpu.memory_space<vmem>>)
      %mul3A_115 = arith.constant 128 : i32
      %mul3A_116 = arith.muli %add3A_107, %mul3A_115 : i32
      %dma_start3A_117 = arith.constant 0 : i32
      %dma_start3A_118 = tpu.memref_slice %arg5[%add3A, %mul3A_116, %dma_start3A_117] : memref<32x10000x128xf32, #tpu.memory_space<hbm>> -> memref<1x128x128xf32, #tpu.memory_space<hbm>>
      %dma_start3A_119 = tpu.memref_squeeze %dma_start3A_118 : memref<1x128x128xf32, #tpu.memory_space<hbm>> -> memref<128x128xf32, #tpu.memory_space<hbm>>
      %dma_start3A_120 = arith.constant 0 : i32
      %dma_start3A_121 = tpu.memref_slice %arg5[%add3A, %mul3A_116, %dma_start3A_120] : memref<32x10000x128xf32, #tpu.memory_space<hbm>> -> memref<1x128x128xf32, #tpu.memory_space<hbm>>
      %dma_start3A_122 = tpu.memref_squeeze %dma_start3A_121 : memref<1x128x128xf32, #tpu.memory_space<hbm>> -> memref<128x128xf32, #tpu.memory_space<hbm>>
      tpu.enqueue_dma source(%arg9 : memref<128x128xf32, #tpu.memory_space<vmem>>) target(%dma_start3A_122 : memref<128x128xf32, #tpu.memory_space<hbm>>) target_semaphore(%arg21 : memref<!tpu.dma_semaphore, #tpu.memory_space<semaphore_mem>>)
      %ge3A = arith.constant 3 : i32
      %ge3A_123 = arith.cmpi sge, %add3A_107, %ge3A : i32
      %convert_element_type3A_124 = arith.extui %ge3A_123 : i1 to i32
      %cond3A_125 = arith.constant 0 : i32
      %cond3A_126 = arith.cmpi ne, %convert_element_type3A_124, %cond3A_125 : i32
      scf.if %cond3A_126 {
        %dma_wait3A_288 = arith.constant 0 : i32
        %dma_wait3A_289 = arith.constant 0 : i32
        %dma_wait3A_290 = tpu.memref_slice %arg5[%add3A, %dma_wait3A_288, %dma_wait3A_289] : memref<32x10000x128xf32, #tpu.memory_space<hbm>> -> memref<1x128x128xf32, #tpu.memory_space<hbm>>
        %dma_wait3A_291 = tpu.memref_squeeze %dma_wait3A_290 : memref<1x128x128xf32, #tpu.memory_space<hbm>> -> memref<128x128xf32, #tpu.memory_space<hbm>>
        %dma_wait3A_292 = arith.constant 0 : i32
        %dma_wait3A_293 = arith.constant 0 : i32
        %dma_wait3A_294 = tpu.memref_slice %arg5[%add3A, %dma_wait3A_292, %dma_wait3A_293] : memref<32x10000x128xf32, #tpu.memory_space<hbm>> -> memref<1x128x128xf32, #tpu.memory_space<hbm>>
        %dma_wait3A_295 = tpu.memref_squeeze %dma_wait3A_294 : memref<1x128x128xf32, #tpu.memory_space<hbm>> -> memref<128x128xf32, #tpu.memory_space<hbm>>
        tpu.wait_dma2 semaphore(%arg24 : memref<!tpu.dma_semaphore, #tpu.memory_space<semaphore_mem>>) src(%arg12 : memref<128x128xf32, #tpu.memory_space<vmem>>) dst(%dma_wait3A_295 : memref<128x128xf32, #tpu.memory_space<hbm>>)
      } else {
      }
      %add3A_127 = arith.constant 3 : i32
      %add3A_128 = arith.addi %add3A_107, %add3A_127 : i32
      %lt3A_129 = arith.constant 78 : i32
      %lt3A_130 = arith.cmpi slt, %add3A_128, %lt3A_129 : i32
      %convert_element_type3A_131 = arith.extui %lt3A_130 : i1 to i32
      %cond3A_132 = arith.constant 0 : i32
      %cond3A_133 = arith.cmpi ne, %convert_element_type3A_131, %cond3A_132 : i32
      scf.if %cond3A_133 {
        %add3A_288 = arith.constant 3 : i32
        %add3A_289 = arith.addi %add3A_107, %add3A_288 : i32
        %mul3A_290 = arith.constant 128 : i32
        %mul3A_291 = arith.muli %add3A_289, %mul3A_290 : i32
        %dma_start3A_292 = arith.constant 0 : i32
        %dma_start3A_293 = tpu.memref_slice %arg7[%dma_start3A_292, %mul3A_291] : memref<1x9984xi32, #tpu.memory_space<vmem>> -> memref<1x128xi32, #tpu.memory_space<vmem>>
        %dma_start3A_294 = tpu.memref_squeeze %dma_start3A_293 : memref<1x128xi32, #tpu.memory_space<vmem>> -> memref<128xi32, #tpu.memory_space<vmem>>
        %dma_start3A_295 = arith.constant 0 : i32
        %dma_start3A_296 = arith.constant 0 : i32
        %dma_start3A_297 = tpu.memref_slice %arg2[%dma_start3A_295, %dma_start3A_296] : memref<10000x128xf32, #tpu.memory_space<hbm>> -> memref<10000x128xf32, #tpu.memory_space<hbm>>
        tpu.enqueue_indirect_dma source(%dma_start3A_297 : memref<10000x128xf32, #tpu.memory_space<hbm>>) target(%arg12 : memref<128x128xf32, #tpu.memory_space<vmem>>) offsets(%dma_start3A_294 : memref<128xi32, #tpu.memory_space<vmem>>) semaphore(%arg18 : memref<!tpu.dma_semaphore, #tpu.memory_space<semaphore_mem>>)
      } else {
      }
      %add3A_134 = arith.constant 1 : i32
      %add3A_135 = arith.addi %add3A_105, %add3A_134 : i32
      %dma_wait3A_136 = arith.constant 0 : i32
      %dma_wait3A_137 = arith.constant 0 : i32
      %dma_wait3A_138 = tpu.memref_slice %arg7[%dma_wait3A_136, %dma_wait3A_137] : memref<1x9984xi32, #tpu.memory_space<vmem>> -> memref<1x128xi32, #tpu.memory_space<vmem>>
      %dma_wait3A_139 = tpu.memref_squeeze %dma_wait3A_138 : memref<1x128xi32, #tpu.memory_space<vmem>> -> memref<128xi32, #tpu.memory_space<vmem>>
      %dma_wait3A_140 = arith.constant 0 : i32
      %dma_wait3A_141 = arith.constant 0 : i32
      %dma_wait3A_142 = tpu.memref_slice %arg2[%dma_wait3A_140, %dma_wait3A_141] : memref<10000x128xf32, #tpu.memory_space<hbm>> -> memref<10000x128xf32, #tpu.memory_space<hbm>>
      tpu.wait_indirect_dma semaphore(%arg16 : memref<!tpu.dma_semaphore, #tpu.memory_space<semaphore_mem>>) src(%dma_wait3A_142 : memref<10000x128xf32, #tpu.memory_space<hbm>>) dst(%arg10 : memref<128x128xf32, #tpu.memory_space<vmem>>)
      %mul3A_143 = arith.constant 128 : i32
      %mul3A_144 = arith.muli %add3A_135, %mul3A_143 : i32
      %dma_start3A_145 = arith.constant 0 : i32
      %dma_start3A_146 = tpu.memref_slice %arg5[%add3A, %mul3A_144, %dma_start3A_145] : memref<32x10000x128xf32, #tpu.memory_space<hbm>> -> memref<1x128x128xf32, #tpu.memory_space<hbm>>
      %dma_start3A_147 = tpu.memref_squeeze %dma_start3A_146 : memref<1x128x128xf32, #tpu.memory_space<hbm>> -> memref<128x128xf32, #tpu.memory_space<hbm>>
      %dma_start3A_148 = arith.constant 0 : i32
      %dma_start3A_149 = tpu.memref_slice %arg5[%add3A, %mul3A_144, %dma_start3A_148] : memref<32x10000x128xf32, #tpu.memory_space<hbm>> -> memref<1x128x128xf32, #tpu.memory_space<hbm>>
      %dma_start3A_150 = tpu.memref_squeeze %dma_start3A_149 : memref<1x128x128xf32, #tpu.memory_space<hbm>> -> memref<128x128xf32, #tpu.memory_space<hbm>>
      tpu.enqueue_dma source(%arg10 : memref<128x128xf32, #tpu.memory_space<vmem>>) target(%dma_start3A_150 : memref<128x128xf32, #tpu.memory_space<hbm>>) target_semaphore(%arg22 : memref<!tpu.dma_semaphore, #tpu.memory_space<semaphore_mem>>)
      %ge3A_151 = arith.constant 3 : i32
      %ge3A_152 = arith.cmpi sge, %add3A_135, %ge3A_151 : i32
      %convert_element_type3A_153 = arith.extui %ge3A_152 : i1 to i32
      %cond3A_154 = arith.constant 0 : i32
      %cond3A_155 = arith.cmpi ne, %convert_element_type3A_153, %cond3A_154 : i32
      scf.if %cond3A_155 {
        %dma_wait3A_288 = arith.constant 0 : i32
        %dma_wait3A_289 = arith.constant 0 : i32
        %dma_wait3A_290 = tpu.memref_slice %arg5[%add3A, %dma_wait3A_288, %dma_wait3A_289] : memref<32x10000x128xf32, #tpu.memory_space<hbm>> -> memref<1x128x128xf32, #tpu.memory_space<hbm>>
        %dma_wait3A_291 = tpu.memref_squeeze %dma_wait3A_290 : memref<1x128x128xf32, #tpu.memory_space<hbm>> -> memref<128x128xf32, #tpu.memory_space<hbm>>
        %dma_wait3A_292 = arith.constant 0 : i32
        %dma_wait3A_293 = arith.constant 0 : i32
        %dma_wait3A_294 = tpu.memref_slice %arg5[%add3A, %dma_wait3A_292, %dma_wait3A_293] : memref<32x10000x128xf32, #tpu.memory_space<hbm>> -> memref<1x128x128xf32, #tpu.memory_space<hbm>>
        %dma_wait3A_295 = tpu.memref_squeeze %dma_wait3A_294 : memref<1x128x128xf32, #tpu.memory_space<hbm>> -> memref<128x128xf32, #tpu.memory_space<hbm>>
        tpu.wait_dma2 semaphore(%arg25 : memref<!tpu.dma_semaphore, #tpu.memory_space<semaphore_mem>>) src(%arg13 : memref<128x128xf32, #tpu.memory_space<vmem>>) dst(%dma_wait3A_295 : memref<128x128xf32, #tpu.memory_space<hbm>>)
      } else {
      }
      %add3A_156 = arith.constant 3 : i32
      %add3A_157 = arith.addi %add3A_135, %add3A_156 : i32
      %lt3A_158 = arith.constant 78 : i32
      %lt3A_159 = arith.cmpi slt, %add3A_157, %lt3A_158 : i32
      %convert_element_type3A_160 = arith.extui %lt3A_159 : i1 to i32
      %cond3A_161 = arith.constant 0 : i32
      %cond3A_162 = arith.cmpi ne, %convert_element_type3A_160, %cond3A_161 : i32
      scf.if %cond3A_162 {
        %add3A_288 = arith.constant 3 : i32
        %add3A_289 = arith.addi %add3A_135, %add3A_288 : i32
        %mul3A_290 = arith.constant 128 : i32
        %mul3A_291 = arith.muli %add3A_289, %mul3A_290 : i32
        %dma_start3A_292 = arith.constant 0 : i32
        %dma_start3A_293 = tpu.memref_slice %arg7[%dma_start3A_292, %mul3A_291] : memref<1x9984xi32, #tpu.memory_space<vmem>> -> memref<1x128xi32, #tpu.memory_space<vmem>>
        %dma_start3A_294 = tpu.memref_squeeze %dma_start3A_293 : memref<1x128xi32, #tpu.memory_space<vmem>> -> memref<128xi32, #tpu.memory_space<vmem>>
        %dma_start3A_295 = arith.constant 0 : i32
        %dma_start3A_296 = arith.constant 0 : i32
        %dma_start3A_297 = tpu.memref_slice %arg2[%dma_start3A_295, %dma_start3A_296] : memref<10000x128xf32, #tpu.memory_space<hbm>> -> memref<10000x128xf32, #tpu.memory_space<hbm>>
        tpu.enqueue_indirect_dma source(%dma_start3A_297 : memref<10000x128xf32, #tpu.memory_space<hbm>>) target(%arg13 : memref<128x128xf32, #tpu.memory_space<vmem>>) offsets(%dma_start3A_294 : memref<128xi32, #tpu.memory_space<vmem>>) semaphore(%arg19 : memref<!tpu.dma_semaphore, #tpu.memory_space<semaphore_mem>>)
      } else {
      }
      %add3A_163 = arith.constant 2 : i32
      %add3A_164 = arith.addi %add3A_105, %add3A_163 : i32
      %dma_wait3A_165 = arith.constant 0 : i32
      %dma_wait3A_166 = arith.constant 0 : i32
      %dma_wait3A_167 = tpu.memref_slice %arg7[%dma_wait3A_165, %dma_wait3A_166] : memref<1x9984xi32, #tpu.memory_space<vmem>> -> memref<1x128xi32, #tpu.memory_space<vmem>>
      %dma_wait3A_168 = tpu.memref_squeeze %dma_wait3A_167 : memref<1x128xi32, #tpu.memory_space<vmem>> -> memref<128xi32, #tpu.memory_space<vmem>>
      %dma_wait3A_169 = arith.constant 0 : i32
      %dma_wait3A_170 = arith.constant 0 : i32
      %dma_wait3A_171 = tpu.memref_slice %arg2[%dma_wait3A_169, %dma_wait3A_170] : memref<10000x128xf32, #tpu.memory_space<hbm>> -> memref<10000x128xf32, #tpu.memory_space<hbm>>
      tpu.wait_indirect_dma semaphore(%arg17 : memref<!tpu.dma_semaphore, #tpu.memory_space<semaphore_mem>>) src(%dma_wait3A_171 : memref<10000x128xf32, #tpu.memory_space<hbm>>) dst(%arg11 : memref<128x128xf32, #tpu.memory_space<vmem>>)
      %mul3A_172 = arith.constant 128 : i32
      %mul3A_173 = arith.muli %add3A_164, %mul3A_172 : i32
      %dma_start3A_174 = arith.constant 0 : i32
      %dma_start3A_175 = tpu.memref_slice %arg5[%add3A, %mul3A_173, %dma_start3A_174] : memref<32x10000x128xf32, #tpu.memory_space<hbm>> -> memref<1x128x128xf32, #tpu.memory_space<hbm>>
      %dma_start3A_176 = tpu.memref_squeeze %dma_start3A_175 : memref<1x128x128xf32, #tpu.memory_space<hbm>> -> memref<128x128xf32, #tpu.memory_space<hbm>>
      %dma_start3A_177 = arith.constant 0 : i32
      %dma_start3A_178 = tpu.memref_slice %arg5[%add3A, %mul3A_173, %dma_start3A_177] : memref<32x10000x128xf32, #tpu.memory_space<hbm>> -> memref<1x128x128xf32, #tpu.memory_space<hbm>>
      %dma_start3A_179 = tpu.memref_squeeze %dma_start3A_178 : memref<1x128x128xf32, #tpu.memory_space<hbm>> -> memref<128x128xf32, #tpu.memory_space<hbm>>
      tpu.enqueue_dma source(%arg11 : memref<128x128xf32, #tpu.memory_space<vmem>>) target(%dma_start3A_179 : memref<128x128xf32, #tpu.memory_space<hbm>>) target_semaphore(%arg23 : memref<!tpu.dma_semaphore, #tpu.memory_space<semaphore_mem>>)
      %ge3A_180 = arith.constant 3 : i32
      %ge3A_181 = arith.cmpi sge, %add3A_164, %ge3A_180 : i32
      %convert_element_type3A_182 = arith.extui %ge3A_181 : i1 to i32
      %cond3A_183 = arith.constant 0 : i32
      %cond3A_184 = arith.cmpi ne, %convert_element_type3A_182, %cond3A_183 : i32
      scf.if %cond3A_184 {
        %dma_wait3A_288 = arith.constant 0 : i32
        %dma_wait3A_289 = arith.constant 0 : i32
        %dma_wait3A_290 = tpu.memref_slice %arg5[%add3A, %dma_wait3A_288, %dma_wait3A_289] : memref<32x10000x128xf32, #tpu.memory_space<hbm>> -> memref<1x128x128xf32, #tpu.memory_space<hbm>>
        %dma_wait3A_291 = tpu.memref_squeeze %dma_wait3A_290 : memref<1x128x128xf32, #tpu.memory_space<hbm>> -> memref<128x128xf32, #tpu.memory_space<hbm>>
        %dma_wait3A_292 = arith.constant 0 : i32
        %dma_wait3A_293 = arith.constant 0 : i32
        %dma_wait3A_294 = tpu.memref_slice %arg5[%add3A, %dma_wait3A_292, %dma_wait3A_293] : memref<32x10000x128xf32, #tpu.memory_space<hbm>> -> memref<1x128x128xf32, #tpu.memory_space<hbm>>
        %dma_wait3A_295 = tpu.memref_squeeze %dma_wait3A_294 : memref<1x128x128xf32, #tpu.memory_space<hbm>> -> memref<128x128xf32, #tpu.memory_space<hbm>>
        tpu.wait_dma2 semaphore(%arg26 : memref<!tpu.dma_semaphore, #tpu.memory_space<semaphore_mem>>) src(%arg14 : memref<128x128xf32, #tpu.memory_space<vmem>>) dst(%dma_wait3A_295 : memref<128x128xf32, #tpu.memory_space<hbm>>)
      } else {
      }
      %add3A_185 = arith.constant 3 : i32
      %add3A_186 = arith.addi %add3A_164, %add3A_185 : i32
      %lt3A_187 = arith.constant 78 : i32
      %lt3A_188 = arith.cmpi slt, %add3A_186, %lt3A_187 : i32
      %convert_element_type3A_189 = arith.extui %lt3A_188 : i1 to i32
      %cond3A_190 = arith.constant 0 : i32
      %cond3A_191 = arith.cmpi ne, %convert_element_type3A_189, %cond3A_190 : i32
      scf.if %cond3A_191 {
        %add3A_288 = arith.constant 3 : i32
        %add3A_289 = arith.addi %add3A_164, %add3A_288 : i32
        %mul3A_290 = arith.constant 128 : i32
        %mul3A_291 = arith.muli %add3A_289, %mul3A_290 : i32
        %dma_start3A_292 = arith.constant 0 : i32
        %dma_start3A_293 = tpu.memref_slice %arg7[%dma_start3A_292, %mul3A_291] : memref<1x9984xi32, #tpu.memory_space<vmem>> -> memref<1x128xi32, #tpu.memory_space<vmem>>
        %dma_start3A_294 = tpu.memref_squeeze %dma_start3A_293 : memref<1x128xi32, #tpu.memory_space<vmem>> -> memref<128xi32, #tpu.memory_space<vmem>>
        %dma_start3A_295 = arith.constant 0 : i32
        %dma_start3A_296 = arith.constant 0 : i32
        %dma_start3A_297 = tpu.memref_slice %arg2[%dma_start3A_295, %dma_start3A_296] : memref<10000x128xf32, #tpu.memory_space<hbm>> -> memref<10000x128xf32, #tpu.memory_space<hbm>>
        tpu.enqueue_indirect_dma source(%dma_start3A_297 : memref<10000x128xf32, #tpu.memory_space<hbm>>) target(%arg14 : memref<128x128xf32, #tpu.memory_space<vmem>>) offsets(%dma_start3A_294 : memref<128xi32, #tpu.memory_space<vmem>>) semaphore(%arg20 : memref<!tpu.dma_semaphore, #tpu.memory_space<semaphore_mem>>)
      } else {
      }
      %add3A_192 = arith.constant 3 : i32
      %add3A_193 = arith.addi %add3A_105, %add3A_192 : i32
      %dma_wait3A_194 = arith.constant 0 : i32
      %dma_wait3A_195 = arith.constant 0 : i32
      %dma_wait3A_196 = tpu.memref_slice %arg7[%dma_wait3A_194, %dma_wait3A_195] : memref<1x9984xi32, #tpu.memory_space<vmem>> -> memref<1x128xi32, #tpu.memory_space<vmem>>
      %dma_wait3A_197 = tpu.memref_squeeze %dma_wait3A_196 : memref<1x128xi32, #tpu.memory_space<vmem>> -> memref<128xi32, #tpu.memory_space<vmem>>
      %dma_wait3A_198 = arith.constant 0 : i32
      %dma_wait3A_199 = arith.constant 0 : i32
      %dma_wait3A_200 = tpu.memref_slice %arg2[%dma_wait3A_198, %dma_wait3A_199] : memref<10000x128xf32, #tpu.memory_space<hbm>> -> memref<10000x128xf32, #tpu.memory_space<hbm>>
      tpu.wait_indirect_dma semaphore(%arg18 : memref<!tpu.dma_semaphore, #tpu.memory_space<semaphore_mem>>) src(%dma_wait3A_200 : memref<10000x128xf32, #tpu.memory_space<hbm>>) dst(%arg12 : memref<128x128xf32, #tpu.memory_space<vmem>>)
      %mul3A_201 = arith.constant 128 : i32
      %mul3A_202 = arith.muli %add3A_193, %mul3A_201 : i32
      %dma_start3A_203 = arith.constant 0 : i32
      %dma_start3A_204 = tpu.memref_slice %arg5[%add3A, %mul3A_202, %dma_start3A_203] : memref<32x10000x128xf32, #tpu.memory_space<hbm>> -> memref<1x128x128xf32, #tpu.memory_space<hbm>>
      %dma_start3A_205 = tpu.memref_squeeze %dma_start3A_204 : memref<1x128x128xf32, #tpu.memory_space<hbm>> -> memref<128x128xf32, #tpu.memory_space<hbm>>
      %dma_start3A_206 = arith.constant 0 : i32
      %dma_start3A_207 = tpu.memref_slice %arg5[%add3A, %mul3A_202, %dma_start3A_206] : memref<32x10000x128xf32, #tpu.memory_space<hbm>> -> memref<1x128x128xf32, #tpu.memory_space<hbm>>
      %dma_start3A_208 = tpu.memref_squeeze %dma_start3A_207 : memref<1x128x128xf32, #tpu.memory_space<hbm>> -> memref<128x128xf32, #tpu.memory_space<hbm>>
      tpu.enqueue_dma source(%arg12 : memref<128x128xf32, #tpu.memory_space<vmem>>) target(%dma_start3A_208 : memref<128x128xf32, #tpu.memory_space<hbm>>) target_semaphore(%arg24 : memref<!tpu.dma_semaphore, #tpu.memory_space<semaphore_mem>>)
      %dma_wait3A_209 = arith.constant 0 : i32
      %dma_wait3A_210 = arith.constant 0 : i32
      %dma_wait3A_211 = tpu.memref_slice %arg5[%add3A, %dma_wait3A_209, %dma_wait3A_210] : memref<32x10000x128xf32, #tpu.memory_space<hbm>> -> memref<1x128x128xf32, #tpu.memory_space<hbm>>
      %dma_wait3A_212 = tpu.memref_squeeze %dma_wait3A_211 : memref<1x128x128xf32, #tpu.memory_space<hbm>> -> memref<128x128xf32, #tpu.memory_space<hbm>>
      %dma_wait3A_213 = arith.constant 0 : i32
      %dma_wait3A_214 = arith.constant 0 : i32
      %dma_wait3A_215 = tpu.memref_slice %arg5[%add3A, %dma_wait3A_213, %dma_wait3A_214] : memref<32x10000x128xf32, #tpu.memory_space<hbm>> -> memref<1x128x128xf32, #tpu.memory_space<hbm>>
      %dma_wait3A_216 = tpu.memref_squeeze %dma_wait3A_215 : memref<1x128x128xf32, #tpu.memory_space<hbm>> -> memref<128x128xf32, #tpu.memory_space<hbm>>
      tpu.wait_dma2 semaphore(%arg21 : memref<!tpu.dma_semaphore, #tpu.memory_space<semaphore_mem>>) src(%arg9 : memref<128x128xf32, #tpu.memory_space<vmem>>) dst(%dma_wait3A_216 : memref<128x128xf32, #tpu.memory_space<hbm>>)
      %add3A_217 = arith.constant 3 : i32
      %add3A_218 = arith.addi %add3A_193, %add3A_217 : i32
      %lt3A_219 = arith.constant 78 : i32
      %lt3A_220 = arith.cmpi slt, %add3A_218, %lt3A_219 : i32
      %convert_element_type3A_221 = arith.extui %lt3A_220 : i1 to i32
      %cond3A_222 = arith.constant 0 : i32
      %cond3A_223 = arith.cmpi ne, %convert_element_type3A_221, %cond3A_222 : i32
      scf.if %cond3A_223 {
        %add3A_288 = arith.constant 3 : i32
        %add3A_289 = arith.addi %add3A_193, %add3A_288 : i32
        %mul3A_290 = arith.constant 128 : i32
        %mul3A_291 = arith.muli %add3A_289, %mul3A_290 : i32
        %dma_start3A_292 = arith.constant 0 : i32
        %dma_start3A_293 = tpu.memref_slice %arg7[%dma_start3A_292, %mul3A_291] : memref<1x9984xi32, #tpu.memory_space<vmem>> -> memref<1x128xi32, #tpu.memory_space<vmem>>
        %dma_start3A_294 = tpu.memref_squeeze %dma_start3A_293 : memref<1x128xi32, #tpu.memory_space<vmem>> -> memref<128xi32, #tpu.memory_space<vmem>>
        %dma_start3A_295 = arith.constant 0 : i32
        %dma_start3A_296 = arith.constant 0 : i32
        %dma_start3A_297 = tpu.memref_slice %arg2[%dma_start3A_295, %dma_start3A_296] : memref<10000x128xf32, #tpu.memory_space<hbm>> -> memref<10000x128xf32, #tpu.memory_space<hbm>>
        tpu.enqueue_indirect_dma source(%dma_start3A_297 : memref<10000x128xf32, #tpu.memory_space<hbm>>) target(%arg9 : memref<128x128xf32, #tpu.memory_space<vmem>>) offsets(%dma_start3A_294 : memref<128xi32, #tpu.memory_space<vmem>>) semaphore(%arg15 : memref<!tpu.dma_semaphore, #tpu.memory_space<semaphore_mem>>)
      } else {
      }
      %add3A_224 = arith.constant 4 : i32
      %add3A_225 = arith.addi %add3A_105, %add3A_224 : i32
      %dma_wait3A_226 = arith.constant 0 : i32
      %dma_wait3A_227 = arith.constant 0 : i32
      %dma_wait3A_228 = tpu.memref_slice %arg7[%dma_wait3A_226, %dma_wait3A_227] : memref<1x9984xi32, #tpu.memory_space<vmem>> -> memref<1x128xi32, #tpu.memory_space<vmem>>
      %dma_wait3A_229 = tpu.memref_squeeze %dma_wait3A_228 : memref<1x128xi32, #tpu.memory_space<vmem>> -> memref<128xi32, #tpu.memory_space<vmem>>
      %dma_wait3A_230 = arith.constant 0 : i32
      %dma_wait3A_231 = arith.constant 0 : i32
      %dma_wait3A_232 = tpu.memref_slice %arg2[%dma_wait3A_230, %dma_wait3A_231] : memref<10000x128xf32, #tpu.memory_space<hbm>> -> memref<10000x128xf32, #tpu.memory_space<hbm>>
      tpu.wait_indirect_dma semaphore(%arg19 : memref<!tpu.dma_semaphore, #tpu.memory_space<semaphore_mem>>) src(%dma_wait3A_232 : memref<10000x128xf32, #tpu.memory_space<hbm>>) dst(%arg13 : memref<128x128xf32, #tpu.memory_space<vmem>>)
      %mul3A_233 = arith.constant 128 : i32
      %mul3A_234 = arith.muli %add3A_225, %mul3A_233 : i32
      %dma_start3A_235 = arith.constant 0 : i32
      %dma_start3A_236 = tpu.memref_slice %arg5[%add3A, %mul3A_234, %dma_start3A_235] : memref<32x10000x128xf32, #tpu.memory_space<hbm>> -> memref<1x128x128xf32, #tpu.memory_space<hbm>>
      %dma_start3A_237 = tpu.memref_squeeze %dma_start3A_236 : memref<1x128x128xf32, #tpu.memory_space<hbm>> -> memref<128x128xf32, #tpu.memory_space<hbm>>
      %dma_start3A_238 = arith.constant 0 : i32
      %dma_start3A_239 = tpu.memref_slice %arg5[%add3A, %mul3A_234, %dma_start3A_238] : memref<32x10000x128xf32, #tpu.memory_space<hbm>> -> memref<1x128x128xf32, #tpu.memory_space<hbm>>
      %dma_start3A_240 = tpu.memref_squeeze %dma_start3A_239 : memref<1x128x128xf32, #tpu.memory_space<hbm>> -> memref<128x128xf32, #tpu.memory_space<hbm>>
      tpu.enqueue_dma source(%arg13 : memref<128x128xf32, #tpu.memory_space<vmem>>) target(%dma_start3A_240 : memref<128x128xf32, #tpu.memory_space<hbm>>) target_semaphore(%arg25 : memref<!tpu.dma_semaphore, #tpu.memory_space<semaphore_mem>>)
      %dma_wait3A_241 = arith.constant 0 : i32
      %dma_wait3A_242 = arith.constant 0 : i32
      %dma_wait3A_243 = tpu.memref_slice %arg5[%add3A, %dma_wait3A_241, %dma_wait3A_242] : memref<32x10000x128xf32, #tpu.memory_space<hbm>> -> memref<1x128x128xf32, #tpu.memory_space<hbm>>
      %dma_wait3A_244 = tpu.memref_squeeze %dma_wait3A_243 : memref<1x128x128xf32, #tpu.memory_space<hbm>> -> memref<128x128xf32, #tpu.memory_space<hbm>>
      %dma_wait3A_245 = arith.constant 0 : i32
      %dma_wait3A_246 = arith.constant 0 : i32
      %dma_wait3A_247 = tpu.memref_slice %arg5[%add3A, %dma_wait3A_245, %dma_wait3A_246] : memref<32x10000x128xf32, #tpu.memory_space<hbm>> -> memref<1x128x128xf32, #tpu.memory_space<hbm>>
      %dma_wait3A_248 = tpu.memref_squeeze %dma_wait3A_247 : memref<1x128x128xf32, #tpu.memory_space<hbm>> -> memref<128x128xf32, #tpu.memory_space<hbm>>
      tpu.wait_dma2 semaphore(%arg22 : memref<!tpu.dma_semaphore, #tpu.memory_space<semaphore_mem>>) src(%arg10 : memref<128x128xf32, #tpu.memory_space<vmem>>) dst(%dma_wait3A_248 : memref<128x128xf32, #tpu.memory_space<hbm>>)
      %add3A_249 = arith.constant 3 : i32
      %add3A_250 = arith.addi %add3A_225, %add3A_249 : i32
      %lt3A_251 = arith.constant 78 : i32
      %lt3A_252 = arith.cmpi slt, %add3A_250, %lt3A_251 : i32
      %convert_element_type3A_253 = arith.extui %lt3A_252 : i1 to i32
      %cond3A_254 = arith.constant 0 : i32
      %cond3A_255 = arith.cmpi ne, %convert_element_type3A_253, %cond3A_254 : i32
      scf.if %cond3A_255 {
        %add3A_288 = arith.constant 3 : i32
        %add3A_289 = arith.addi %add3A_225, %add3A_288 : i32
        %mul3A_290 = arith.constant 128 : i32
        %mul3A_291 = arith.muli %add3A_289, %mul3A_290 : i32
        %dma_start3A_292 = arith.constant 0 : i32
        %dma_start3A_293 = tpu.memref_slice %arg7[%dma_start3A_292, %mul3A_291] : memref<1x9984xi32, #tpu.memory_space<vmem>> -> memref<1x128xi32, #tpu.memory_space<vmem>>
        %dma_start3A_294 = tpu.memref_squeeze %dma_start3A_293 : memref<1x128xi32, #tpu.memory_space<vmem>> -> memref<128xi32, #tpu.memory_space<vmem>>
        %dma_start3A_295 = arith.constant 0 : i32
        %dma_start3A_296 = arith.constant 0 : i32
        %dma_start3A_297 = tpu.memref_slice %arg2[%dma_start3A_295, %dma_start3A_296] : memref<10000x128xf32, #tpu.memory_space<hbm>> -> memref<10000x128xf32, #tpu.memory_space<hbm>>
        tpu.enqueue_indirect_dma source(%dma_start3A_297 : memref<10000x128xf32, #tpu.memory_space<hbm>>) target(%arg10 : memref<128x128xf32, #tpu.memory_space<vmem>>) offsets(%dma_start3A_294 : memref<128xi32, #tpu.memory_space<vmem>>) semaphore(%arg16 : memref<!tpu.dma_semaphore, #tpu.memory_space<semaphore_mem>>)
      } else {
      }
      %add3A_256 = arith.constant 5 : i32
      %add3A_257 = arith.addi %add3A_105, %add3A_256 : i32
      %dma_wait3A_258 = arith.constant 0 : i32
      %dma_wait3A_259 = arith.constant 0 : i32
      %dma_wait3A_260 = tpu.memref_slice %arg7[%dma_wait3A_258, %dma_wait3A_259] : memref<1x9984xi32, #tpu.memory_space<vmem>> -> memref<1x128xi32, #tpu.memory_space<vmem>>
      %dma_wait3A_261 = tpu.memref_squeeze %dma_wait3A_260 : memref<1x128xi32, #tpu.memory_space<vmem>> -> memref<128xi32, #tpu.memory_space<vmem>>
      %dma_wait3A_262 = arith.constant 0 : i32
      %dma_wait3A_263 = arith.constant 0 : i32
      %dma_wait3A_264 = tpu.memref_slice %arg2[%dma_wait3A_262, %dma_wait3A_263] : memref<10000x128xf32, #tpu.memory_space<hbm>> -> memref<10000x128xf32, #tpu.memory_space<hbm>>
      tpu.wait_indirect_dma semaphore(%arg20 : memref<!tpu.dma_semaphore, #tpu.memory_space<semaphore_mem>>) src(%dma_wait3A_264 : memref<10000x128xf32, #tpu.memory_space<hbm>>) dst(%arg14 : memref<128x128xf32, #tpu.memory_space<vmem>>)
      %mul3A_265 = arith.constant 128 : i32
      %mul3A_266 = arith.muli %add3A_257, %mul3A_265 : i32
      %dma_start3A_267 = arith.constant 0 : i32
      %dma_start3A_268 = tpu.memref_slice %arg5[%add3A, %mul3A_266, %dma_start3A_267] : memref<32x10000x128xf32, #tpu.memory_space<hbm>> -> memref<1x128x128xf32, #tpu.memory_space<hbm>>
      %dma_start3A_269 = tpu.memref_squeeze %dma_start3A_268 : memref<1x128x128xf32, #tpu.memory_space<hbm>> -> memref<128x128xf32, #tpu.memory_space<hbm>>
      %dma_start3A_270 = arith.constant 0 : i32
      %dma_start3A_271 = tpu.memref_slice %arg5[%add3A, %mul3A_266, %dma_start3A_270] : memref<32x10000x128xf32, #tpu.memory_space<hbm>> -> memref<1x128x128xf32, #tpu.memory_space<hbm>>
      %dma_start3A_272 = tpu.memref_squeeze %dma_start3A_271 : memref<1x128x128xf32, #tpu.memory_space<hbm>> -> memref<128x128xf32, #tpu.memory_space<hbm>>
      tpu.enqueue_dma source(%arg14 : memref<128x128xf32, #tpu.memory_space<vmem>>) target(%dma_start3A_272 : memref<128x128xf32, #tpu.memory_space<hbm>>) target_semaphore(%arg26 : memref<!tpu.dma_semaphore, #tpu.memory_space<semaphore_mem>>)
      %dma_wait3A_273 = arith.constant 0 : i32
      %dma_wait3A_274 = arith.constant 0 : i32
      %dma_wait3A_275 = tpu.memref_slice %arg5[%add3A, %dma_wait3A_273, %dma_wait3A_274] : memref<32x10000x128xf32, #tpu.memory_space<hbm>> -> memref<1x128x128xf32, #tpu.memory_space<hbm>>
      %dma_wait3A_276 = tpu.memref_squeeze %dma_wait3A_275 : memref<1x128x128xf32, #tpu.memory_space<hbm>> -> memref<128x128xf32, #tpu.memory_space<hbm>>
      %dma_wait3A_277 = arith.constant 0 : i32
      %dma_wait3A_278 = arith.constant 0 : i32
      %dma_wait3A_279 = tpu.memref_slice %arg5[%add3A, %dma_wait3A_277, %dma_wait3A_278] : memref<32x10000x128xf32, #tpu.memory_space<hbm>> -> memref<1x128x128xf32, #tpu.memory_space<hbm>>
      %dma_wait3A_280 = tpu.memref_squeeze %dma_wait3A_279 : memref<1x128x128xf32, #tpu.memory_space<hbm>> -> memref<128x128xf32, #tpu.memory_space<hbm>>
      tpu.wait_dma2 semaphore(%arg23 : memref<!tpu.dma_semaphore, #tpu.memory_space<semaphore_mem>>) src(%arg11 : memref<128x128xf32, #tpu.memory_space<vmem>>) dst(%dma_wait3A_280 : memref<128x128xf32, #tpu.memory_space<hbm>>)
      %add3A_281 = arith.constant 3 : i32
      %add3A_282 = arith.addi %add3A_257, %add3A_281 : i32
      %lt3A_283 = arith.constant 78 : i32
      %lt3A_284 = arith.cmpi slt, %add3A_282, %lt3A_283 : i32
      %convert_element_type3A_285 = arith.extui %lt3A_284 : i1 to i32
      %cond3A_286 = arith.constant 0 : i32
      %cond3A_287 = arith.cmpi ne, %convert_element_type3A_285, %cond3A_286 : i32
      scf.if %cond3A_287 {
        %add3A_288 = arith.constant 3 : i32
        %add3A_289 = arith.addi %add3A_257, %add3A_288 : i32
        %mul3A_290 = arith.constant 128 : i32
        %mul3A_291 = arith.muli %add3A_289, %mul3A_290 : i32
        %dma_start3A_292 = arith.constant 0 : i32
        %dma_start3A_293 = tpu.memref_slice %arg7[%dma_start3A_292, %mul3A_291] : memref<1x9984xi32, #tpu.memory_space<vmem>> -> memref<1x128xi32, #tpu.memory_space<vmem>>
        %dma_start3A_294 = tpu.memref_squeeze %dma_start3A_293 : memref<1x128xi32, #tpu.memory_space<vmem>> -> memref<128xi32, #tpu.memory_space<vmem>>
        %dma_start3A_295 = arith.constant 0 : i32
        %dma_start3A_296 = arith.constant 0 : i32
        %dma_start3A_297 = tpu.memref_slice %arg2[%dma_start3A_295, %dma_start3A_296] : memref<10000x128xf32, #tpu.memory_space<hbm>> -> memref<10000x128xf32, #tpu.memory_space<hbm>>
        tpu.enqueue_indirect_dma source(%dma_start3A_297 : memref<10000x128xf32, #tpu.memory_space<hbm>>) target(%arg11 : memref<128x128xf32, #tpu.memory_space<vmem>>) offsets(%dma_start3A_294 : memref<128xi32, #tpu.memory_space<vmem>>) semaphore(%arg17 : memref<!tpu.dma_semaphore, #tpu.memory_space<semaphore_mem>>)
      } else {
      }
    }
    %scan3A_59 = arith.constant 13 : i32
    %dma_wait3A = arith.constant 0 : i32
    %dma_wait3A_60 = arith.constant 0 : i32
    %dma_wait3A_61 = tpu.memref_slice %arg5[%add3A, %dma_wait3A, %dma_wait3A_60] : memref<32x10000x128xf32, #tpu.memory_space<hbm>> -> memref<1x128x128xf32, #tpu.memory_space<hbm>>
    %dma_wait3A_62 = tpu.memref_squeeze %dma_wait3A_61 : memref<1x128x128xf32, #tpu.memory_space<hbm>> -> memref<128x128xf32, #tpu.memory_space<hbm>>
    %dma_wait3A_63 = arith.constant 0 : i32
    %dma_wait3A_64 = arith.constant 0 : i32
    %dma_wait3A_65 = tpu.memref_slice %arg5[%add3A, %dma_wait3A_63, %dma_wait3A_64] : memref<32x10000x128xf32, #tpu.memory_space<hbm>> -> memref<1x128x128xf32, #tpu.memory_space<hbm>>
    %dma_wait3A_66 = tpu.memref_squeeze %dma_wait3A_65 : memref<1x128x128xf32, #tpu.memory_space<hbm>> -> memref<128x128xf32, #tpu.memory_space<hbm>>
    tpu.wait_dma2 semaphore(%arg24 : memref<!tpu.dma_semaphore, #tpu.memory_space<semaphore_mem>>) src(%arg12 : memref<128x128xf32, #tpu.memory_space<vmem>>) dst(%dma_wait3A_66 : memref<128x128xf32, #tpu.memory_space<hbm>>)
    %dma_wait3A_67 = arith.constant 0 : i32
    %dma_wait3A_68 = arith.constant 0 : i32
    %dma_wait3A_69 = tpu.memref_slice %arg5[%add3A, %dma_wait3A_67, %dma_wait3A_68] : memref<32x10000x128xf32, #tpu.memory_space<hbm>> -> memref<1x128x128xf32, #tpu.memory_space<hbm>>
    %dma_wait3A_70 = tpu.memref_squeeze %dma_wait3A_69 : memref<1x128x128xf32, #tpu.memory_space<hbm>> -> memref<128x128xf32, #tpu.memory_space<hbm>>
    %dma_wait3A_71 = arith.constant 0 : i32
    %dma_wait3A_72 = arith.constant 0 : i32
    %dma_wait3A_73 = tpu.memref_slice %arg5[%add3A, %dma_wait3A_71, %dma_wait3A_72] : memref<32x10000x128xf32, #tpu.memory_space<hbm>> -> memref<1x128x128xf32, #tpu.memory_space<hbm>>
    %dma_wait3A_74 = tpu.memref_squeeze %dma_wait3A_73 : memref<1x128x128xf32, #tpu.memory_space<hbm>> -> memref<128x128xf32, #tpu.memory_space<hbm>>
    tpu.wait_dma2 semaphore(%arg25 : memref<!tpu.dma_semaphore, #tpu.memory_space<semaphore_mem>>) src(%arg13 : memref<128x128xf32, #tpu.memory_space<vmem>>) dst(%dma_wait3A_74 : memref<128x128xf32, #tpu.memory_space<hbm>>)
    %dma_wait3A_75 = arith.constant 0 : i32
    %dma_wait3A_76 = arith.constant 0 : i32
    %dma_wait3A_77 = tpu.memref_slice %arg5[%add3A, %dma_wait3A_75, %dma_wait3A_76] : memref<32x10000x128xf32, #tpu.memory_space<hbm>> -> memref<1x128x128xf32, #tpu.memory_space<hbm>>
    %dma_wait3A_78 = tpu.memref_squeeze %dma_wait3A_77 : memref<1x128x128xf32, #tpu.memory_space<hbm>> -> memref<128x128xf32, #tpu.memory_space<hbm>>
    %dma_wait3A_79 = arith.constant 0 : i32
    %dma_wait3A_80 = arith.constant 0 : i32
    %dma_wait3A_81 = tpu.memref_slice %arg5[%add3A, %dma_wait3A_79, %dma_wait3A_80] : memref<32x10000x128xf32, #tpu.memory_space<hbm>> -> memref<1x128x128xf32, #tpu.memory_space<hbm>>
    %dma_wait3A_82 = tpu.memref_squeeze %dma_wait3A_81 : memref<1x128x128xf32, #tpu.memory_space<hbm>> -> memref<128x128xf32, #tpu.memory_space<hbm>>
    tpu.wait_dma2 semaphore(%arg26 : memref<!tpu.dma_semaphore, #tpu.memory_space<semaphore_mem>>) src(%arg14 : memref<128x128xf32, #tpu.memory_space<vmem>>) dst(%dma_wait3A_82 : memref<128x128xf32, #tpu.memory_space<hbm>>)
    %dma_start3A_83 = arith.constant 0 : i32
    %dma_start3A_84 = arith.constant 0 : i32
    %dma_start3A_85 = tpu.memref_slice %arg9[%dma_start3A_83, %dma_start3A_84] : memref<128x128xf32, #tpu.memory_space<vmem>> -> memref<16x128xf32, #tpu.memory_space<vmem>>
    %dma_start3A_86 = arith.constant 0 : i32
    %dma_start3A_87 = tpu.memref_slice %arg8[%select_n3A_35, %dma_start3A_86] : memref<8x128xi32, #tpu.memory_space<vmem>> -> memref<1x16xi32, #tpu.memory_space<vmem>>
    %dma_start3A_88 = tpu.memref_squeeze %dma_start3A_87 : memref<1x16xi32, #tpu.memory_space<vmem>> -> memref<16xi32, #tpu.memory_space<vmem>>
    %dma_start3A_89 = arith.constant 0 : i32
    %dma_start3A_90 = arith.constant 0 : i32
    %dma_start3A_91 = tpu.memref_slice %arg2[%dma_start3A_89, %dma_start3A_90] : memref<10000x128xf32, #tpu.memory_space<hbm>> -> memref<10000x128xf32, #tpu.memory_space<hbm>>
    tpu.enqueue_indirect_dma source(%dma_start3A_91 : memref<10000x128xf32, #tpu.memory_space<hbm>>) target(%dma_start3A_85 : memref<16x128xf32, #tpu.memory_space<vmem>>) offsets(%dma_start3A_88 : memref<16xi32, #tpu.memory_space<vmem>>) semaphore(%arg15 : memref<!tpu.dma_semaphore, #tpu.memory_space<semaphore_mem>>)
    %dma_wait3A_92 = arith.constant 0 : i32
    %dma_wait3A_93 = arith.constant 0 : i32
    %dma_wait3A_94 = tpu.memref_slice %arg9[%dma_wait3A_92, %dma_wait3A_93] : memref<128x128xf32, #tpu.memory_space<vmem>> -> memref<16x128xf32, #tpu.memory_space<vmem>>
    %dma_wait3A_95 = arith.constant 0 : i32
    %dma_wait3A_96 = tpu.memref_slice %arg8[%select_n3A_35, %dma_wait3A_95] : memref<8x128xi32, #tpu.memory_space<vmem>> -> memref<1x16xi32, #tpu.memory_space<vmem>>
    %dma_wait3A_97 = tpu.memref_squeeze %dma_wait3A_96 : memref<1x16xi32, #tpu.memory_space<vmem>> -> memref<16xi32, #tpu.memory_space<vmem>>
    %dma_wait3A_98 = arith.constant 0 : i32
    %dma_wait3A_99 = arith.constant 0 : i32
    %dma_wait3A_100 = tpu.memref_slice %arg2[%dma_wait3A_98, %dma_wait3A_99] : memref<10000x128xf32, #tpu.memory_space<hbm>> -> memref<10000x128xf32, #tpu.memory_space<hbm>>
    tpu.wait_indirect_dma semaphore(%arg15 : memref<!tpu.dma_semaphore, #tpu.memory_space<semaphore_mem>>) src(%dma_wait3A_100 : memref<10000x128xf32, #tpu.memory_space<hbm>>) dst(%dma_wait3A_94 : memref<16x128xf32, #tpu.memory_space<vmem>>)
    "tpu.region"() ({
      %run_scoped3A = tpu.sem_alloc : memref<!tpu.dma_semaphore, #tpu.memory_space<semaphore_mem>>
      %dma_start3A_101 = arith.constant 0 : i32
      %dma_start3A_102 = arith.constant 0 : i32
      %dma_start3A_103 = tpu.memref_slice %arg9[%dma_start3A_101, %dma_start3A_102] : memref<128x128xf32, #tpu.memory_space<vmem>> -> memref<16x128xf32, #tpu.memory_space<vmem>>
      %dma_start3A_104 = arith.constant 9984 : i32
      %dma_start3A_105 = arith.constant 0 : i32
      %dma_start3A_106 = tpu.memref_slice %arg5[%add3A, %dma_start3A_104, %dma_start3A_105] : memref<32x10000x128xf32, #tpu.memory_space<hbm>> -> memref<1x16x128xf32, #tpu.memory_space<hbm>>
      %dma_start3A_107 = tpu.memref_squeeze %dma_start3A_106 : memref<1x16x128xf32, #tpu.memory_space<hbm>> -> memref<16x128xf32, #tpu.memory_space<hbm>>
      %dma_start3A_108 = arith.constant 9984 : i32
      %dma_start3A_109 = arith.constant 0 : i32
      %dma_start3A_110 = tpu.memref_slice %arg5[%add3A, %dma_start3A_108, %dma_start3A_109] : memref<32x10000x128xf32, #tpu.memory_space<hbm>> -> memref<1x16x128xf32, #tpu.memory_space<hbm>>
      %dma_start3A_111 = tpu.memref_squeeze %dma_start3A_110 : memref<1x16x128xf32, #tpu.memory_space<hbm>> -> memref<16x128xf32, #tpu.memory_space<hbm>>
      %dma_start3A_112 = arith.constant 0 : i32
      %dma_start3A_113 = arith.constant 0 : i32
      %dma_start3A_114 = tpu.memref_slice %arg9[%dma_start3A_112, %dma_start3A_113] : memref<128x128xf32, #tpu.memory_space<vmem>> -> memref<16x128xf32, #tpu.memory_space<vmem>>
      tpu.enqueue_dma source(%dma_start3A_114 : memref<16x128xf32, #tpu.memory_space<vmem>>) target(%dma_start3A_111 : memref<16x128xf32, #tpu.memory_space<hbm>>) target_semaphore(%run_scoped3A : memref<!tpu.dma_semaphore, #tpu.memory_space<semaphore_mem>>)
      %dma_wait3A_115 = arith.constant 0 : i32
      %dma_wait3A_116 = arith.constant 0 : i32
      %dma_wait3A_117 = tpu.memref_slice %arg9[%dma_wait3A_115, %dma_wait3A_116] : memref<128x128xf32, #tpu.memory_space<vmem>> -> memref<16x128xf32, #tpu.memory_space<vmem>>
      %dma_wait3A_118 = arith.constant 9984 : i32
      %dma_wait3A_119 = arith.constant 0 : i32
      %dma_wait3A_120 = tpu.memref_slice %arg5[%add3A, %dma_wait3A_118, %dma_wait3A_119] : memref<32x10000x128xf32, #tpu.memory_space<hbm>> -> memref<1x16x128xf32, #tpu.memory_space<hbm>>
      %dma_wait3A_121 = tpu.memref_squeeze %dma_wait3A_120 : memref<1x16x128xf32, #tpu.memory_space<hbm>> -> memref<16x128xf32, #tpu.memory_space<hbm>>
      %dma_wait3A_122 = arith.constant 9984 : i32
      %dma_wait3A_123 = arith.constant 0 : i32
      %dma_wait3A_124 = tpu.memref_slice %arg5[%add3A, %dma_wait3A_122, %dma_wait3A_123] : memref<32x10000x128xf32, #tpu.memory_space<hbm>> -> memref<1x16x128xf32, #tpu.memory_space<hbm>>
      %dma_wait3A_125 = tpu.memref_squeeze %dma_wait3A_124 : memref<1x16x128xf32, #tpu.memory_space<hbm>> -> memref<16x128xf32, #tpu.memory_space<hbm>>
      %dma_wait3A_126 = arith.constant 0 : i32
      %dma_wait3A_127 = arith.constant 0 : i32
      %dma_wait3A_128 = tpu.memref_slice %arg9[%dma_wait3A_126, %dma_wait3A_127] : memref<128x128xf32, #tpu.memory_space<vmem>> -> memref<16x128xf32, #tpu.memory_space<vmem>>
      tpu.wait_dma2 semaphore(%run_scoped3A : memref<!tpu.dma_semaphore, #tpu.memory_space<semaphore_mem>>) src(%dma_wait3A_128 : memref<16x128xf32, #tpu.memory_space<vmem>>) dst(%dma_wait3A_125 : memref<16x128xf32, #tpu.memory_space<hbm>>)
      tpu.yield
    }) : () -> ()
    return
  }
}

module attributes {stable_mosaic.version = 14 : i64} {
  func.func @_prep_body(%arg0: memref<10000x128xf32, #tpu.memory_space<vmem>>, %arg1: memref<128x128xf32, #tpu.memory_space<vmem>>, %arg2: memref<25x128xf32, #tpu.memory_space<vmem>>, %arg3: memref<128x128xf32, #tpu.memory_space<vmem>>, %arg4: memref<1x128xf32, #tpu.memory_space<vmem>>, %arg5: memref<1x128xf32, #tpu.memory_space<vmem>>, %arg6: memref<32x10000xi32, #tpu.memory_space<vmem>>, %arg7: memref<10000x128xf32, #tpu.memory_space<vmem>>, %arg8: memref<25x128xf32, #tpu.memory_space<vmem>>, %arg9: memref<1x128xf32, #tpu.memory_space<vmem>>, %arg10: memref<32x128xi32, #tpu.memory_space<vmem>>) attributes {dimension_semantics = [], scalar_prefetch = 0 : i64, scratch_operands = 0 : i64, tpu.core_type = #tpu.core_type<tc>} {
    %get3A = arith.constant 0 : index
    %get3A_0 = arith.constant 0 : index
    %get3A_1 = vector.load %arg0[%get3A, %get3A_0] : memref<10000x128xf32, #tpu.memory_space<vmem>>, vector<10000x128xf32>
    %get3A_2 = arith.constant 0 : index
    %get3A_3 = arith.constant 0 : index
    %get3A_4 = vector.load %arg1[%get3A_2, %get3A_3] : memref<128x128xf32, #tpu.memory_space<vmem>>, vector<128x128xf32>
    %dot_general3A = arith.constant dense<0.000000e+00> : vector<10000x128xf32>
    %dot_general3A_5 = tpu.matmul %get3A_1, %get3A_4, %dot_general3A {dimension_numbers = #tpu.dot_dimension_numbers<[1], [0], [0], [1], [0, 0, 1, 1], [], []>, transpose_lhs_hint = false} : vector<10000x128xf32>, vector<128x128xf32>, vector<10000x128xf32> -> vector<10000x128xf32>
    %swap3A = arith.constant 0 : index
    %swap3A_6 = arith.constant 0 : index
    %swap3A_7 = vector.load %arg7[%swap3A, %swap3A_6] : memref<10000x128xf32, #tpu.memory_space<vmem>>, vector<10000x128xf32>
    tpu.vector_store %arg7[%swap3A, %swap3A_6], %dot_general3A_5 {strides = array<i32>} : memref<10000x128xf32, #tpu.memory_space<vmem>>, vector<10000x128xf32>,
    %get3A_8 = arith.constant 0 : index
    %get3A_9 = arith.constant 0 : index
    %get3A_10 = vector.load %arg2[%get3A_8, %get3A_9] : memref<25x128xf32, #tpu.memory_space<vmem>>, vector<25x128xf32>
    %get3A_11 = arith.constant 0 : index
    %get3A_12 = arith.constant 0 : index
    %get3A_13 = vector.load %arg3[%get3A_11, %get3A_12] : memref<128x128xf32, #tpu.memory_space<vmem>>, vector<128x128xf32>
    %dot_general3A_14 = arith.constant dense<0.000000e+00> : vector<25x128xf32>
    %dot_general3A_15 = tpu.matmul %get3A_10, %get3A_13, %dot_general3A_14 {dimension_numbers = #tpu.dot_dimension_numbers<[1], [0], [0], [1], [0, 0, 1, 1], [], []>, transpose_lhs_hint = false} : vector<25x128xf32>, vector<128x128xf32>, vector<25x128xf32> -> vector<25x128xf32>
    %swap3A_16 = arith.constant 0 : index
    %swap3A_17 = arith.constant 0 : index
    %swap3A_18 = vector.load %arg8[%swap3A_16, %swap3A_17] : memref<25x128xf32, #tpu.memory_space<vmem>>, vector<25x128xf32>
    tpu.vector_store %arg8[%swap3A_16, %swap3A_17], %dot_general3A_15 {strides = array<i32>} : memref<25x128xf32, #tpu.memory_space<vmem>>, vector<25x128xf32>,
    %get3A_19 = arith.constant 0 : index
    %get3A_20 = arith.constant 0 : index
    %get3A_21 = vector.load %arg4[%get3A_19, %get3A_20] : memref<1x128xf32, #tpu.memory_space<vmem>>, vector<1x128xf32>
    %get3A_22 = arith.constant 0 : index
    %get3A_23 = arith.constant 0 : index
    %get3A_24 = vector.load %arg3[%get3A_22, %get3A_23] : memref<128x128xf32, #tpu.memory_space<vmem>>, vector<128x128xf32>
    %dot_general3A_25 = arith.constant dense<0.000000e+00> : vector<1x128xf32>
    %dot_general3A_26 = tpu.matmul %get3A_21, %get3A_24, %dot_general3A_25 {dimension_numbers = #tpu.dot_dimension_numbers<[1], [0], [0], [1], [0, 0, 1, 1], [], []>, transpose_lhs_hint = false} : vector<1x128xf32>, vector<128x128xf32>, vector<1x128xf32> -> vector<1x128xf32>
    %get3A_27 = arith.constant 0 : index
    %get3A_28 = arith.constant 0 : index
    %get3A_29 = vector.load %arg5[%get3A_27, %get3A_28] : memref<1x128xf32, #tpu.memory_space<vmem>>, vector<1x128xf32>
    %add3A = arith.addf %dot_general3A_26, %get3A_29 : vector<1x128xf32>
    %swap3A_30 = arith.constant 0 : index
    %swap3A_31 = arith.constant 0 : index
    %swap3A_32 = vector.load %arg9[%swap3A_30, %swap3A_31] : memref<1x128xf32, #tpu.memory_space<vmem>>, vector<1x128xf32>
    tpu.vector_store %arg9[%swap3A_30, %swap3A_31], %add3A {strides = array<i32>} : memref<1x128xf32, #tpu.memory_space<vmem>>, vector<1x128xf32>,
    %get3A_33 = arith.constant 0 : index
    %get3A_34 = arith.constant 9984 : index
    %get3A_35 = vector.load %arg6[%get3A_33, %get3A_34] : memref<32x10000xi32, #tpu.memory_space<vmem>>, vector<32x16xi32>
    %broadcast_in_dim3A = arith.constant 0 : i32
    %broadcast_in_dim3A_36 = vector.broadcast %broadcast_in_dim3A : i32 to vector<32x112xi32>
    %concatenate3A = tpu.concatenate %get3A_35, %broadcast_in_dim3A_36 in 1 : vector<32x16xi32>, vector<32x112xi32> -> vector<32x128xi32>
    %swap3A_37 = arith.constant 0 : index
    %swap3A_38 = arith.constant 0 : index
    %swap3A_39 = vector.load %arg10[%swap3A_37, %swap3A_38] : memref<32x128xi32, #tpu.memory_space<vmem>>, vector<32x128xi32>
    tpu.vector_store %arg10[%swap3A_37, %swap3A_38], %concatenate3A {strides = array<i32>} : memref<32x128xi32, #tpu.memory_space<vmem>>, vector<32x128xi32>,
    return
  }
}

module attributes {stable_mosaic.version = 14 : i64} {
  func.func @_main_body(%arg0: i32, %arg1: memref<25x32x512xf32, #tpu.memory_space<vmem>>, %arg2: memref<32x512x128xf32, #tpu.memory_space<vmem>>, %arg3: memref<25x128xf32, #tpu.memory_space<vmem>>, %arg4: memref<1x128xf32, #tpu.memory_space<vmem>>, %arg5: memref<128x128xf32, #tpu.memory_space<vmem>>, %arg6: memref<1x128xf32, #tpu.memory_space<vmem>>, %arg7: memref<512x128xf32, #tpu.memory_space<vmem>>) attributes {dimension_semantics = [#tpu.dimension_semantics<arbitrary>], iteration_bounds = array<i64: 20>, scalar_prefetch = 0 : i64, scratch_operands = 0 : i64, tpu.core_type = #tpu.core_type<tc>, window_params = [{transform_indices = @transform_0, window_bounds = array<i64: 25, 32, 512>}, {transform_indices = @transform_1, window_bounds = array<i64: 32, 512, 128>}, {pipeline_mode = #tpu.pipeline_mode<synchronous>, transform_indices = @transform_2, window_bounds = array<i64: 25, 128>}, {pipeline_mode = #tpu.pipeline_mode<synchronous>, transform_indices = @transform_3, window_bounds = array<i64: 1, 128>}, {pipeline_mode = #tpu.pipeline_mode<synchronous>, transform_indices = @transform_4, window_bounds = array<i64: 128, 128>}, {pipeline_mode = #tpu.pipeline_mode<synchronous>, transform_indices = @transform_5, window_bounds = array<i64: 1, 128>}, {transform_indices = @transform_6, window_bounds = array<i64: 512, 128>}]} {
    %get3A = arith.constant 0 : index
    %get3A_0 = arith.constant 0 : index
    %get3A_1 = vector.load %arg4[%get3A, %get3A_0] : memref<1x128xf32, #tpu.memory_space<vmem>>, vector<1x128xf32>
    %broadcast_in_dim3A = arith.constant 0.000000e+00 : f32
    %broadcast_in_dim3A_2 = vector.broadcast %broadcast_in_dim3A : f32 to vector<512x128xf32>
    %get3A_3 = arith.constant 0 : index
    %get3A_4 = arith.constant 0 : index
    %get3A_5 = arith.constant 0 : index
    %get3A_6 = vector.load %arg1[%get3A_3, %get3A_4, %get3A_5] : memref<25x32x512xf32, #tpu.memory_space<vmem>>, vector<25x1x512xf32>
    %get3A_7 = vector.shape_cast %get3A_6 : vector<25x1x512xf32> to vector<25x512xf32>
    %get3A_8 = arith.constant 0 : index
    %get3A_9 = arith.constant 0 : index
    %get3A_10 = vector.load %arg3[%get3A_8, %get3A_9] : memref<25x128xf32, #tpu.memory_space<vmem>>, vector<25x128xf32>
    %dot_general3A = arith.constant dense<0.000000e+00> : vector<512x128xf32>
    %dot_general3A_11 = tpu.matmul %get3A_7, %get3A_10, %dot_general3A {dimension_numbers = #tpu.dot_dimension_numbers<[0], [0], [1], [1], [0, 1, 1, 1], [], []>, transpose_lhs_hint = false} : vector<25x512xf32>, vector<25x128xf32>, vector<512x128xf32> -> vector<512x128xf32>
    %add3A = vector.broadcast %get3A_1 : vector<1x128xf32> to vector<512x128xf32>
    %add3A_12 = arith.addf %dot_general3A_11, %add3A : vector<512x128xf32>
    %get3A_13 = arith.constant 0 : index
    %get3A_14 = arith.constant 0 : index
    %get3A_15 = arith.constant 0 : index
    %get3A_16 = vector.load %arg2[%get3A_13, %get3A_14, %get3A_15] : memref<32x512x128xf32, #tpu.memory_space<vmem>>, vector<1x512x128xf32>
    %get3A_17 = vector.shape_cast %get3A_16 : vector<1x512x128xf32> to vector<512x128xf32>
    %mul3A = arith.mulf %add3A_12, %get3A_17 : vector<512x128xf32>
    %add3A_18 = arith.addf %broadcast_in_dim3A_2, %mul3A : vector<512x128xf32>
    %get3A_19 = arith.constant 0 : index
    %get3A_20 = arith.constant 1 : index
    %get3A_21 = arith.constant 0 : index
    %get3A_22 = vector.load %arg1[%get3A_19, %get3A_20, %get3A_21] : memref<25x32x512xf32, #tpu.memory_space<vmem>>, vector<25x1x512xf32>
    %get3A_23 = vector.shape_cast %get3A_22 : vector<25x1x512xf32> to vector<25x512xf32>
    %get3A_24 = arith.constant 0 : index
    %get3A_25 = arith.constant 0 : index
    %get3A_26 = vector.load %arg3[%get3A_24, %get3A_25] : memref<25x128xf32, #tpu.memory_space<vmem>>, vector<25x128xf32>
    %dot_general3A_27 = arith.constant dense<0.000000e+00> : vector<512x128xf32>
    %dot_general3A_28 = tpu.matmul %get3A_23, %get3A_26, %dot_general3A_27 {dimension_numbers = #tpu.dot_dimension_numbers<[0], [0], [1], [1], [0, 1, 1, 1], [], []>, transpose_lhs_hint = false} : vector<25x512xf32>, vector<25x128xf32>, vector<512x128xf32> -> vector<512x128xf32>
    %add3A_29 = vector.broadcast %get3A_1 : vector<1x128xf32> to vector<512x128xf32>
    %add3A_30 = arith.addf %dot_general3A_28, %add3A_29 : vector<512x128xf32>
    %get3A_31 = arith.constant 1 : index
    %get3A_32 = arith.constant 0 : index
    %get3A_33 = arith.constant 0 : index
    %get3A_34 = vector.load %arg2[%get3A_31, %get3A_32, %get3A_33] : memref<32x512x128xf32, #tpu.memory_space<vmem>>, vector<1x512x128xf32>
    %get3A_35 = vector.shape_cast %get3A_34 : vector<1x512x128xf32> to vector<512x128xf32>
    %mul3A_36 = arith.mulf %add3A_30, %get3A_35 : vector<512x128xf32>
    %add3A_37 = arith.addf %add3A_18, %mul3A_36 : vector<512x128xf32>
    %get3A_38 = arith.constant 0 : index
    %get3A_39 = arith.constant 2 : index
    %get3A_40 = arith.constant 0 : index
    %get3A_41 = vector.load %arg1[%get3A_38, %get3A_39, %get3A_40] : memref<25x32x512xf32, #tpu.memory_space<vmem>>, vector<25x1x512xf32>
    %get3A_42 = vector.shape_cast %get3A_41 : vector<25x1x512xf32> to vector<25x512xf32>
    %get3A_43 = arith.constant 0 : index
    %get3A_44 = arith.constant 0 : index
    %get3A_45 = vector.load %arg3[%get3A_43, %get3A_44] : memref<25x128xf32, #tpu.memory_space<vmem>>, vector<25x128xf32>
    %dot_general3A_46 = arith.constant dense<0.000000e+00> : vector<512x128xf32>
    %dot_general3A_47 = tpu.matmul %get3A_42, %get3A_45, %dot_general3A_46 {dimension_numbers = #tpu.dot_dimension_numbers<[0], [0], [1], [1], [0, 1, 1, 1], [], []>, transpose_lhs_hint = false} : vector<25x512xf32>, vector<25x128xf32>, vector<512x128xf32> -> vector<512x128xf32>
    %add3A_48 = vector.broadcast %get3A_1 : vector<1x128xf32> to vector<512x128xf32>
    %add3A_49 = arith.addf %dot_general3A_47, %add3A_48 : vector<512x128xf32>
    %get3A_50 = arith.constant 2 : index
    %get3A_51 = arith.constant 0 : index
    %get3A_52 = arith.constant 0 : index
    %get3A_53 = vector.load %arg2[%get3A_50, %get3A_51, %get3A_52] : memref<32x512x128xf32, #tpu.memory_space<vmem>>, vector<1x512x128xf32>
    %get3A_54 = vector.shape_cast %get3A_53 : vector<1x512x128xf32> to vector<512x128xf32>
    %mul3A_55 = arith.mulf %add3A_49, %get3A_54 : vector<512x128xf32>
    %add3A_56 = arith.addf %add3A_37, %mul3A_55 : vector<512x128xf32>
    %get3A_57 = arith.constant 0 : index
    %get3A_58 = arith.constant 3 : index
    %get3A_59 = arith.constant 0 : index
    %get3A_60 = vector.load %arg1[%get3A_57, %get3A_58, %get3A_59] : memref<25x32x512xf32, #tpu.memory_space<vmem>>, vector<25x1x512xf32>
    %get3A_61 = vector.shape_cast %get3A_60 : vector<25x1x512xf32> to vector<25x512xf32>
    %get3A_62 = arith.constant 0 : index
    %get3A_63 = arith.constant 0 : index
    %get3A_64 = vector.load %arg3[%get3A_62, %get3A_63] : memref<25x128xf32, #tpu.memory_space<vmem>>, vector<25x128xf32>
    %dot_general3A_65 = arith.constant dense<0.000000e+00> : vector<512x128xf32>
    %dot_general3A_66 = tpu.matmul %get3A_61, %get3A_64, %dot_general3A_65 {dimension_numbers = #tpu.dot_dimension_numbers<[0], [0], [1], [1], [0, 1, 1, 1], [], []>, transpose_lhs_hint = false} : vector<25x512xf32>, vector<25x128xf32>, vector<512x128xf32> -> vector<512x128xf32>
    %add3A_67 = vector.broadcast %get3A_1 : vector<1x128xf32> to vector<512x128xf32>
    %add3A_68 = arith.addf %dot_general3A_66, %add3A_67 : vector<512x128xf32>
    %get3A_69 = arith.constant 3 : index
    %get3A_70 = arith.constant 0 : index
    %get3A_71 = arith.constant 0 : index
    %get3A_72 = vector.load %arg2[%get3A_69, %get3A_70, %get3A_71] : memref<32x512x128xf32, #tpu.memory_space<vmem>>, vector<1x512x128xf32>
    %get3A_73 = vector.shape_cast %get3A_72 : vector<1x512x128xf32> to vector<512x128xf32>
    %mul3A_74 = arith.mulf %add3A_68, %get3A_73 : vector<512x128xf32>
    %add3A_75 = arith.addf %add3A_56, %mul3A_74 : vector<512x128xf32>
    %get3A_76 = arith.constant 0 : index
    %get3A_77 = arith.constant 4 : index
    %get3A_78 = arith.constant 0 : index
    %get3A_79 = vector.load %arg1[%get3A_76, %get3A_77, %get3A_78] : memref<25x32x512xf32, #tpu.memory_space<vmem>>, vector<25x1x512xf32>
    %get3A_80 = vector.shape_cast %get3A_79 : vector<25x1x512xf32> to vector<25x512xf32>
    %get3A_81 = arith.constant 0 : index
    %get3A_82 = arith.constant 0 : index
    %get3A_83 = vector.load %arg3[%get3A_81, %get3A_82] : memref<25x128xf32, #tpu.memory_space<vmem>>, vector<25x128xf32>
    %dot_general3A_84 = arith.constant dense<0.000000e+00> : vector<512x128xf32>
    %dot_general3A_85 = tpu.matmul %get3A_80, %get3A_83, %dot_general3A_84 {dimension_numbers = #tpu.dot_dimension_numbers<[0], [0], [1], [1], [0, 1, 1, 1], [], []>, transpose_lhs_hint = false} : vector<25x512xf32>, vector<25x128xf32>, vector<512x128xf32> -> vector<512x128xf32>
    %add3A_86 = vector.broadcast %get3A_1 : vector<1x128xf32> to vector<512x128xf32>
    %add3A_87 = arith.addf %dot_general3A_85, %add3A_86 : vector<512x128xf32>
    %get3A_88 = arith.constant 4 : index
    %get3A_89 = arith.constant 0 : index
    %get3A_90 = arith.constant 0 : index
    %get3A_91 = vector.load %arg2[%get3A_88, %get3A_89, %get3A_90] : memref<32x512x128xf32, #tpu.memory_space<vmem>>, vector<1x512x128xf32>
    %get3A_92 = vector.shape_cast %get3A_91 : vector<1x512x128xf32> to vector<512x128xf32>
    %mul3A_93 = arith.mulf %add3A_87, %get3A_92 : vector<512x128xf32>
    %add3A_94 = arith.addf %add3A_75, %mul3A_93 : vector<512x128xf32>
    %get3A_95 = arith.constant 0 : index
    %get3A_96 = arith.constant 5 : index
    %get3A_97 = arith.constant 0 : index
    %get3A_98 = vector.load %arg1[%get3A_95, %get3A_96, %get3A_97] : memref<25x32x512xf32, #tpu.memory_space<vmem>>, vector<25x1x512xf32>
    %get3A_99 = vector.shape_cast %get3A_98 : vector<25x1x512xf32> to vector<25x512xf32>
    %get3A_100 = arith.constant 0 : index
    %get3A_101 = arith.constant 0 : index
    %get3A_102 = vector.load %arg3[%get3A_100, %get3A_101] : memref<25x128xf32, #tpu.memory_space<vmem>>, vector<25x128xf32>
    %dot_general3A_103 = arith.constant dense<0.000000e+00> : vector<512x128xf32>
    %dot_general3A_104 = tpu.matmul %get3A_99, %get3A_102, %dot_general3A_103 {dimension_numbers = #tpu.dot_dimension_numbers<[0], [0], [1], [1], [0, 1, 1, 1], [], []>, transpose_lhs_hint = false} : vector<25x512xf32>, vector<25x128xf32>, vector<512x128xf32> -> vector<512x128xf32>
    %add3A_105 = vector.broadcast %get3A_1 : vector<1x128xf32> to vector<512x128xf32>
    %add3A_106 = arith.addf %dot_general3A_104, %add3A_105 : vector<512x128xf32>
    %get3A_107 = arith.constant 5 : index
    %get3A_108 = arith.constant 0 : index
    %get3A_109 = arith.constant 0 : index
    %get3A_110 = vector.load %arg2[%get3A_107, %get3A_108, %get3A_109] : memref<32x512x128xf32, #tpu.memory_space<vmem>>, vector<1x512x128xf32>
    %get3A_111 = vector.shape_cast %get3A_110 : vector<1x512x128xf32> to vector<512x128xf32>
    %mul3A_112 = arith.mulf %add3A_106, %get3A_111 : vector<512x128xf32>
    %add3A_113 = arith.addf %add3A_94, %mul3A_112 : vector<512x128xf32>
    %get3A_114 = arith.constant 0 : index
    %get3A_115 = arith.constant 6 : index
    %get3A_116 = arith.constant 0 : index
    %get3A_117 = vector.load %arg1[%get3A_114, %get3A_115, %get3A_116] : memref<25x32x512xf32, #tpu.memory_space<vmem>>, vector<25x1x512xf32>
    %get3A_118 = vector.shape_cast %get3A_117 : vector<25x1x512xf32> to vector<25x512xf32>
    %get3A_119 = arith.constant 0 : index
    %get3A_120 = arith.constant 0 : index
    %get3A_121 = vector.load %arg3[%get3A_119, %get3A_120] : memref<25x128xf32, #tpu.memory_space<vmem>>, vector<25x128xf32>
    %dot_general3A_122 = arith.constant dense<0.000000e+00> : vector<512x128xf32>
    %dot_general3A_123 = tpu.matmul %get3A_118, %get3A_121, %dot_general3A_122 {dimension_numbers = #tpu.dot_dimension_numbers<[0], [0], [1], [1], [0, 1, 1, 1], [], []>, transpose_lhs_hint = false} : vector<25x512xf32>, vector<25x128xf32>, vector<512x128xf32> -> vector<512x128xf32>
    %add3A_124 = vector.broadcast %get3A_1 : vector<1x128xf32> to vector<512x128xf32>
    %add3A_125 = arith.addf %dot_general3A_123, %add3A_124 : vector<512x128xf32>
    %get3A_126 = arith.constant 6 : index
    %get3A_127 = arith.constant 0 : index
    %get3A_128 = arith.constant 0 : index
    %get3A_129 = vector.load %arg2[%get3A_126, %get3A_127, %get3A_128] : memref<32x512x128xf32, #tpu.memory_space<vmem>>, vector<1x512x128xf32>
    %get3A_130 = vector.shape_cast %get3A_129 : vector<1x512x128xf32> to vector<512x128xf32>
    %mul3A_131 = arith.mulf %add3A_125, %get3A_130 : vector<512x128xf32>
    %add3A_132 = arith.addf %add3A_113, %mul3A_131 : vector<512x128xf32>
    %get3A_133 = arith.constant 0 : index
    %get3A_134 = arith.constant 7 : index
    %get3A_135 = arith.constant 0 : index
    %get3A_136 = vector.load %arg1[%get3A_133, %get3A_134, %get3A_135] : memref<25x32x512xf32, #tpu.memory_space<vmem>>, vector<25x1x512xf32>
    %get3A_137 = vector.shape_cast %get3A_136 : vector<25x1x512xf32> to vector<25x512xf32>
    %get3A_138 = arith.constant 0 : index
    %get3A_139 = arith.constant 0 : index
    %get3A_140 = vector.load %arg3[%get3A_138, %get3A_139] : memref<25x128xf32, #tpu.memory_space<vmem>>, vector<25x128xf32>
    %dot_general3A_141 = arith.constant dense<0.000000e+00> : vector<512x128xf32>
    %dot_general3A_142 = tpu.matmul %get3A_137, %get3A_140, %dot_general3A_141 {dimension_numbers = #tpu.dot_dimension_numbers<[0], [0], [1], [1], [0, 1, 1, 1], [], []>, transpose_lhs_hint = false} : vector<25x512xf32>, vector<25x128xf32>, vector<512x128xf32> -> vector<512x128xf32>
    %add3A_143 = vector.broadcast %get3A_1 : vector<1x128xf32> to vector<512x128xf32>
    %add3A_144 = arith.addf %dot_general3A_142, %add3A_143 : vector<512x128xf32>
    %get3A_145 = arith.constant 7 : index
    %get3A_146 = arith.constant 0 : index
    %get3A_147 = arith.constant 0 : index
    %get3A_148 = vector.load %arg2[%get3A_145, %get3A_146, %get3A_147] : memref<32x512x128xf32, #tpu.memory_space<vmem>>, vector<1x512x128xf32>
    %get3A_149 = vector.shape_cast %get3A_148 : vector<1x512x128xf32> to vector<512x128xf32>
    %mul3A_150 = arith.mulf %add3A_144, %get3A_149 : vector<512x128xf32>
    %add3A_151 = arith.addf %add3A_132, %mul3A_150 : vector<512x128xf32>
    %get3A_152 = arith.constant 0 : index
    %get3A_153 = arith.constant 8 : index
    %get3A_154 = arith.constant 0 : index
    %get3A_155 = vector.load %arg1[%get3A_152, %get3A_153, %get3A_154] : memref<25x32x512xf32, #tpu.memory_space<vmem>>, vector<25x1x512xf32>
    %get3A_156 = vector.shape_cast %get3A_155 : vector<25x1x512xf32> to vector<25x512xf32>
    %get3A_157 = arith.constant 0 : index
    %get3A_158 = arith.constant 0 : index
    %get3A_159 = vector.load %arg3[%get3A_157, %get3A_158] : memref<25x128xf32, #tpu.memory_space<vmem>>, vector<25x128xf32>
    %dot_general3A_160 = arith.constant dense<0.000000e+00> : vector<512x128xf32>
    %dot_general3A_161 = tpu.matmul %get3A_156, %get3A_159, %dot_general3A_160 {dimension_numbers = #tpu.dot_dimension_numbers<[0], [0], [1], [1], [0, 1, 1, 1], [], []>, transpose_lhs_hint = false} : vector<25x512xf32>, vector<25x128xf32>, vector<512x128xf32> -> vector<512x128xf32>
    %add3A_162 = vector.broadcast %get3A_1 : vector<1x128xf32> to vector<512x128xf32>
    %add3A_163 = arith.addf %dot_general3A_161, %add3A_162 : vector<512x128xf32>
    %get3A_164 = arith.constant 8 : index
    %get3A_165 = arith.constant 0 : index
    %get3A_166 = arith.constant 0 : index
    %get3A_167 = vector.load %arg2[%get3A_164, %get3A_165, %get3A_166] : memref<32x512x128xf32, #tpu.memory_space<vmem>>, vector<1x512x128xf32>
    %get3A_168 = vector.shape_cast %get3A_167 : vector<1x512x128xf32> to vector<512x128xf32>
    %mul3A_169 = arith.mulf %add3A_163, %get3A_168 : vector<512x128xf32>
    %add3A_170 = arith.addf %add3A_151, %mul3A_169 : vector<512x128xf32>
    %get3A_171 = arith.constant 0 : index
    %get3A_172 = arith.constant 9 : index
    %get3A_173 = arith.constant 0 : index
    %get3A_174 = vector.load %arg1[%get3A_171, %get3A_172, %get3A_173] : memref<25x32x512xf32, #tpu.memory_space<vmem>>, vector<25x1x512xf32>
    %get3A_175 = vector.shape_cast %get3A_174 : vector<25x1x512xf32> to vector<25x512xf32>
    %get3A_176 = arith.constant 0 : index
    %get3A_177 = arith.constant 0 : index
    %get3A_178 = vector.load %arg3[%get3A_176, %get3A_177] : memref<25x128xf32, #tpu.memory_space<vmem>>, vector<25x128xf32>
    %dot_general3A_179 = arith.constant dense<0.000000e+00> : vector<512x128xf32>
    %dot_general3A_180 = tpu.matmul %get3A_175, %get3A_178, %dot_general3A_179 {dimension_numbers = #tpu.dot_dimension_numbers<[0], [0], [1], [1], [0, 1, 1, 1], [], []>, transpose_lhs_hint = false} : vector<25x512xf32>, vector<25x128xf32>, vector<512x128xf32> -> vector<512x128xf32>
    %add3A_181 = vector.broadcast %get3A_1 : vector<1x128xf32> to vector<512x128xf32>
    %add3A_182 = arith.addf %dot_general3A_180, %add3A_181 : vector<512x128xf32>
    %get3A_183 = arith.constant 9 : index
    %get3A_184 = arith.constant 0 : index
    %get3A_185 = arith.constant 0 : index
    %get3A_186 = vector.load %arg2[%get3A_183, %get3A_184, %get3A_185] : memref<32x512x128xf32, #tpu.memory_space<vmem>>, vector<1x512x128xf32>
    %get3A_187 = vector.shape_cast %get3A_186 : vector<1x512x128xf32> to vector<512x128xf32>
    %mul3A_188 = arith.mulf %add3A_182, %get3A_187 : vector<512x128xf32>
    %add3A_189 = arith.addf %add3A_170, %mul3A_188 : vector<512x128xf32>
    %get3A_190 = arith.constant 0 : index
    %get3A_191 = arith.constant 10 : index
    %get3A_192 = arith.constant 0 : index
    %get3A_193 = vector.load %arg1[%get3A_190, %get3A_191, %get3A_192] : memref<25x32x512xf32, #tpu.memory_space<vmem>>, vector<25x1x512xf32>
    %get3A_194 = vector.shape_cast %get3A_193 : vector<25x1x512xf32> to vector<25x512xf32>
    %get3A_195 = arith.constant 0 : index
    %get3A_196 = arith.constant 0 : index
    %get3A_197 = vector.load %arg3[%get3A_195, %get3A_196] : memref<25x128xf32, #tpu.memory_space<vmem>>, vector<25x128xf32>
    %dot_general3A_198 = arith.constant dense<0.000000e+00> : vector<512x128xf32>
    %dot_general3A_199 = tpu.matmul %get3A_194, %get3A_197, %dot_general3A_198 {dimension_numbers = #tpu.dot_dimension_numbers<[0], [0], [1], [1], [0, 1, 1, 1], [], []>, transpose_lhs_hint = false} : vector<25x512xf32>, vector<25x128xf32>, vector<512x128xf32> -> vector<512x128xf32>
    %add3A_200 = vector.broadcast %get3A_1 : vector<1x128xf32> to vector<512x128xf32>
    %add3A_201 = arith.addf %dot_general3A_199, %add3A_200 : vector<512x128xf32>
    %get3A_202 = arith.constant 10 : index
    %get3A_203 = arith.constant 0 : index
    %get3A_204 = arith.constant 0 : index
    %get3A_205 = vector.load %arg2[%get3A_202, %get3A_203, %get3A_204] : memref<32x512x128xf32, #tpu.memory_space<vmem>>, vector<1x512x128xf32>
    %get3A_206 = vector.shape_cast %get3A_205 : vector<1x512x128xf32> to vector<512x128xf32>
    %mul3A_207 = arith.mulf %add3A_201, %get3A_206 : vector<512x128xf32>
    %add3A_208 = arith.addf %add3A_189, %mul3A_207 : vector<512x128xf32>
    %get3A_209 = arith.constant 0 : index
    %get3A_210 = arith.constant 11 : index
    %get3A_211 = arith.constant 0 : index
    %get3A_212 = vector.load %arg1[%get3A_209, %get3A_210, %get3A_211] : memref<25x32x512xf32, #tpu.memory_space<vmem>>, vector<25x1x512xf32>
    %get3A_213 = vector.shape_cast %get3A_212 : vector<25x1x512xf32> to vector<25x512xf32>
    %get3A_214 = arith.constant 0 : index
    %get3A_215 = arith.constant 0 : index
    %get3A_216 = vector.load %arg3[%get3A_214, %get3A_215] : memref<25x128xf32, #tpu.memory_space<vmem>>, vector<25x128xf32>
    %dot_general3A_217 = arith.constant dense<0.000000e+00> : vector<512x128xf32>
    %dot_general3A_218 = tpu.matmul %get3A_213, %get3A_216, %dot_general3A_217 {dimension_numbers = #tpu.dot_dimension_numbers<[0], [0], [1], [1], [0, 1, 1, 1], [], []>, transpose_lhs_hint = false} : vector<25x512xf32>, vector<25x128xf32>, vector<512x128xf32> -> vector<512x128xf32>
    %add3A_219 = vector.broadcast %get3A_1 : vector<1x128xf32> to vector<512x128xf32>
    %add3A_220 = arith.addf %dot_general3A_218, %add3A_219 : vector<512x128xf32>
    %get3A_221 = arith.constant 11 : index
    %get3A_222 = arith.constant 0 : index
    %get3A_223 = arith.constant 0 : index
    %get3A_224 = vector.load %arg2[%get3A_221, %get3A_222, %get3A_223] : memref<32x512x128xf32, #tpu.memory_space<vmem>>, vector<1x512x128xf32>
    %get3A_225 = vector.shape_cast %get3A_224 : vector<1x512x128xf32> to vector<512x128xf32>
    %mul3A_226 = arith.mulf %add3A_220, %get3A_225 : vector<512x128xf32>
    %add3A_227 = arith.addf %add3A_208, %mul3A_226 : vector<512x128xf32>
    %get3A_228 = arith.constant 0 : index
    %get3A_229 = arith.constant 12 : index
    %get3A_230 = arith.constant 0 : index
    %get3A_231 = vector.load %arg1[%get3A_228, %get3A_229, %get3A_230] : memref<25x32x512xf32, #tpu.memory_space<vmem>>, vector<25x1x512xf32>
    %get3A_232 = vector.shape_cast %get3A_231 : vector<25x1x512xf32> to vector<25x512xf32>
    %get3A_233 = arith.constant 0 : index
    %get3A_234 = arith.constant 0 : index
    %get3A_235 = vector.load %arg3[%get3A_233, %get3A_234] : memref<25x128xf32, #tpu.memory_space<vmem>>, vector<25x128xf32>
    %dot_general3A_236 = arith.constant dense<0.000000e+00> : vector<512x128xf32>
    %dot_general3A_237 = tpu.matmul %get3A_232, %get3A_235, %dot_general3A_236 {dimension_numbers = #tpu.dot_dimension_numbers<[0], [0], [1], [1], [0, 1, 1, 1], [], []>, transpose_lhs_hint = false} : vector<25x512xf32>, vector<25x128xf32>, vector<512x128xf32> -> vector<512x128xf32>
    %add3A_238 = vector.broadcast %get3A_1 : vector<1x128xf32> to vector<512x128xf32>
    %add3A_239 = arith.addf %dot_general3A_237, %add3A_238 : vector<512x128xf32>
    %get3A_240 = arith.constant 12 : index
    %get3A_241 = arith.constant 0 : index
    %get3A_242 = arith.constant 0 : index
    %get3A_243 = vector.load %arg2[%get3A_240, %get3A_241, %get3A_242] : memref<32x512x128xf32, #tpu.memory_space<vmem>>, vector<1x512x128xf32>
    %get3A_244 = vector.shape_cast %get3A_243 : vector<1x512x128xf32> to vector<512x128xf32>
    %mul3A_245 = arith.mulf %add3A_239, %get3A_244 : vector<512x128xf32>
    %add3A_246 = arith.addf %add3A_227, %mul3A_245 : vector<512x128xf32>
    %get3A_247 = arith.constant 0 : index
    %get3A_248 = arith.constant 13 : index
    %get3A_249 = arith.constant 0 : index
    %get3A_250 = vector.load %arg1[%get3A_247, %get3A_248, %get3A_249] : memref<25x32x512xf32, #tpu.memory_space<vmem>>, vector<25x1x512xf32>
    %get3A_251 = vector.shape_cast %get3A_250 : vector<25x1x512xf32> to vector<25x512xf32>
    %get3A_252 = arith.constant 0 : index
    %get3A_253 = arith.constant 0 : index
    %get3A_254 = vector.load %arg3[%get3A_252, %get3A_253] : memref<25x128xf32, #tpu.memory_space<vmem>>, vector<25x128xf32>
    %dot_general3A_255 = arith.constant dense<0.000000e+00> : vector<512x128xf32>
    %dot_general3A_256 = tpu.matmul %get3A_251, %get3A_254, %dot_general3A_255 {dimension_numbers = #tpu.dot_dimension_numbers<[0], [0], [1], [1], [0, 1, 1, 1], [], []>, transpose_lhs_hint = false} : vector<25x512xf32>, vector<25x128xf32>, vector<512x128xf32> -> vector<512x128xf32>
    %add3A_257 = vector.broadcast %get3A_1 : vector<1x128xf32> to vector<512x128xf32>
    %add3A_258 = arith.addf %dot_general3A_256, %add3A_257 : vector<512x128xf32>
    %get3A_259 = arith.constant 13 : index
    %get3A_260 = arith.constant 0 : index
    %get3A_261 = arith.constant 0 : index
    %get3A_262 = vector.load %arg2[%get3A_259, %get3A_260, %get3A_261] : memref<32x512x128xf32, #tpu.memory_space<vmem>>, vector<1x512x128xf32>
    %get3A_263 = vector.shape_cast %get3A_262 : vector<1x512x128xf32> to vector<512x128xf32>
    %mul3A_264 = arith.mulf %add3A_258, %get3A_263 : vector<512x128xf32>
    %add3A_265 = arith.addf %add3A_246, %mul3A_264 : vector<512x128xf32>
    %get3A_266 = arith.constant 0 : index
    %get3A_267 = arith.constant 14 : index
    %get3A_268 = arith.constant 0 : index
    %get3A_269 = vector.load %arg1[%get3A_266, %get3A_267, %get3A_268] : memref<25x32x512xf32, #tpu.memory_space<vmem>>, vector<25x1x512xf32>
    %get3A_270 = vector.shape_cast %get3A_269 : vector<25x1x512xf32> to vector<25x512xf32>
    %get3A_271 = arith.constant 0 : index
    %get3A_272 = arith.constant 0 : index
    %get3A_273 = vector.load %arg3[%get3A_271, %get3A_272] : memref<25x128xf32, #tpu.memory_space<vmem>>, vector<25x128xf32>
    %dot_general3A_274 = arith.constant dense<0.000000e+00> : vector<512x128xf32>
    %dot_general3A_275 = tpu.matmul %get3A_270, %get3A_273, %dot_general3A_274 {dimension_numbers = #tpu.dot_dimension_numbers<[0], [0], [1], [1], [0, 1, 1, 1], [], []>, transpose_lhs_hint = false} : vector<25x512xf32>, vector<25x128xf32>, vector<512x128xf32> -> vector<512x128xf32>
    %add3A_276 = vector.broadcast %get3A_1 : vector<1x128xf32> to vector<512x128xf32>
    %add3A_277 = arith.addf %dot_general3A_275, %add3A_276 : vector<512x128xf32>
    %get3A_278 = arith.constant 14 : index
    %get3A_279 = arith.constant 0 : index
    %get3A_280 = arith.constant 0 : index
    %get3A_281 = vector.load %arg2[%get3A_278, %get3A_279, %get3A_280] : memref<32x512x128xf32, #tpu.memory_space<vmem>>, vector<1x512x128xf32>
    %get3A_282 = vector.shape_cast %get3A_281 : vector<1x512x128xf32> to vector<512x128xf32>
    %mul3A_283 = arith.mulf %add3A_277, %get3A_282 : vector<512x128xf32>
    %add3A_284 = arith.addf %add3A_265, %mul3A_283 : vector<512x128xf32>
    %get3A_285 = arith.constant 0 : index
    %get3A_286 = arith.constant 15 : index
    %get3A_287 = arith.constant 0 : index
    %get3A_288 = vector.load %arg1[%get3A_285, %get3A_286, %get3A_287] : memref<25x32x512xf32, #tpu.memory_space<vmem>>, vector<25x1x512xf32>
    %get3A_289 = vector.shape_cast %get3A_288 : vector<25x1x512xf32> to vector<25x512xf32>
    %get3A_290 = arith.constant 0 : index
    %get3A_291 = arith.constant 0 : index
    %get3A_292 = vector.load %arg3[%get3A_290, %get3A_291] : memref<25x128xf32, #tpu.memory_space<vmem>>, vector<25x128xf32>
    %dot_general3A_293 = arith.constant dense<0.000000e+00> : vector<512x128xf32>
    %dot_general3A_294 = tpu.matmul %get3A_289, %get3A_292, %dot_general3A_293 {dimension_numbers = #tpu.dot_dimension_numbers<[0], [0], [1], [1], [0, 1, 1, 1], [], []>, transpose_lhs_hint = false} : vector<25x512xf32>, vector<25x128xf32>, vector<512x128xf32> -> vector<512x128xf32>
    %add3A_295 = vector.broadcast %get3A_1 : vector<1x128xf32> to vector<512x128xf32>
    %add3A_296 = arith.addf %dot_general3A_294, %add3A_295 : vector<512x128xf32>
    %get3A_297 = arith.constant 15 : index
    %get3A_298 = arith.constant 0 : index
    %get3A_299 = arith.constant 0 : index
    %get3A_300 = vector.load %arg2[%get3A_297, %get3A_298, %get3A_299] : memref<32x512x128xf32, #tpu.memory_space<vmem>>, vector<1x512x128xf32>
    %get3A_301 = vector.shape_cast %get3A_300 : vector<1x512x128xf32> to vector<512x128xf32>
    %mul3A_302 = arith.mulf %add3A_296, %get3A_301 : vector<512x128xf32>
    %add3A_303 = arith.addf %add3A_284, %mul3A_302 : vector<512x128xf32>
    %get3A_304 = arith.constant 0 : index
    %get3A_305 = arith.constant 16 : index
    %get3A_306 = arith.constant 0 : index
    %get3A_307 = vector.load %arg1[%get3A_304, %get3A_305, %get3A_306] : memref<25x32x512xf32, #tpu.memory_space<vmem>>, vector<25x1x512xf32>
    %get3A_308 = vector.shape_cast %get3A_307 : vector<25x1x512xf32> to vector<25x512xf32>
    %get3A_309 = arith.constant 0 : index
    %get3A_310 = arith.constant 0 : index
    %get3A_311 = vector.load %arg3[%get3A_309, %get3A_310] : memref<25x128xf32, #tpu.memory_space<vmem>>, vector<25x128xf32>
    %dot_general3A_312 = arith.constant dense<0.000000e+00> : vector<512x128xf32>
    %dot_general3A_313 = tpu.matmul %get3A_308, %get3A_311, %dot_general3A_312 {dimension_numbers = #tpu.dot_dimension_numbers<[0], [0], [1], [1], [0, 1, 1, 1], [], []>, transpose_lhs_hint = false} : vector<25x512xf32>, vector<25x128xf32>, vector<512x128xf32> -> vector<512x128xf32>
    %add3A_314 = vector.broadcast %get3A_1 : vector<1x128xf32> to vector<512x128xf32>
    %add3A_315 = arith.addf %dot_general3A_313, %add3A_314 : vector<512x128xf32>
    %get3A_316 = arith.constant 16 : index
    %get3A_317 = arith.constant 0 : index
    %get3A_318 = arith.constant 0 : index
    %get3A_319 = vector.load %arg2[%get3A_316, %get3A_317, %get3A_318] : memref<32x512x128xf32, #tpu.memory_space<vmem>>, vector<1x512x128xf32>
    %get3A_320 = vector.shape_cast %get3A_319 : vector<1x512x128xf32> to vector<512x128xf32>
    %mul3A_321 = arith.mulf %add3A_315, %get3A_320 : vector<512x128xf32>
    %add3A_322 = arith.addf %add3A_303, %mul3A_321 : vector<512x128xf32>
    %get3A_323 = arith.constant 0 : index
    %get3A_324 = arith.constant 17 : index
    %get3A_325 = arith.constant 0 : index
    %get3A_326 = vector.load %arg1[%get3A_323, %get3A_324, %get3A_325] : memref<25x32x512xf32, #tpu.memory_space<vmem>>, vector<25x1x512xf32>
    %get3A_327 = vector.shape_cast %get3A_326 : vector<25x1x512xf32> to vector<25x512xf32>
    %get3A_328 = arith.constant 0 : index
    %get3A_329 = arith.constant 0 : index
    %get3A_330 = vector.load %arg3[%get3A_328, %get3A_329] : memref<25x128xf32, #tpu.memory_space<vmem>>, vector<25x128xf32>
    %dot_general3A_331 = arith.constant dense<0.000000e+00> : vector<512x128xf32>
    %dot_general3A_332 = tpu.matmul %get3A_327, %get3A_330, %dot_general3A_331 {dimension_numbers = #tpu.dot_dimension_numbers<[0], [0], [1], [1], [0, 1, 1, 1], [], []>, transpose_lhs_hint = false} : vector<25x512xf32>, vector<25x128xf32>, vector<512x128xf32> -> vector<512x128xf32>
    %add3A_333 = vector.broadcast %get3A_1 : vector<1x128xf32> to vector<512x128xf32>
    %add3A_334 = arith.addf %dot_general3A_332, %add3A_333 : vector<512x128xf32>
    %get3A_335 = arith.constant 17 : index
    %get3A_336 = arith.constant 0 : index
    %get3A_337 = arith.constant 0 : index
    %get3A_338 = vector.load %arg2[%get3A_335, %get3A_336, %get3A_337] : memref<32x512x128xf32, #tpu.memory_space<vmem>>, vector<1x512x128xf32>
    %get3A_339 = vector.shape_cast %get3A_338 : vector<1x512x128xf32> to vector<512x128xf32>
    %mul3A_340 = arith.mulf %add3A_334, %get3A_339 : vector<512x128xf32>
    %add3A_341 = arith.addf %add3A_322, %mul3A_340 : vector<512x128xf32>
    %get3A_342 = arith.constant 0 : index
    %get3A_343 = arith.constant 18 : index
    %get3A_344 = arith.constant 0 : index
    %get3A_345 = vector.load %arg1[%get3A_342, %get3A_343, %get3A_344] : memref<25x32x512xf32, #tpu.memory_space<vmem>>, vector<25x1x512xf32>
    %get3A_346 = vector.shape_cast %get3A_345 : vector<25x1x512xf32> to vector<25x512xf32>
    %get3A_347 = arith.constant 0 : index
    %get3A_348 = arith.constant 0 : index
    %get3A_349 = vector.load %arg3[%get3A_347, %get3A_348] : memref<25x128xf32, #tpu.memory_space<vmem>>, vector<25x128xf32>
    %dot_general3A_350 = arith.constant dense<0.000000e+00> : vector<512x128xf32>
    %dot_general3A_351 = tpu.matmul %get3A_346, %get3A_349, %dot_general3A_350 {dimension_numbers = #tpu.dot_dimension_numbers<[0], [0], [1], [1], [0, 1, 1, 1], [], []>, transpose_lhs_hint = false} : vector<25x512xf32>, vector<25x128xf32>, vector<512x128xf32> -> vector<512x128xf32>
    %add3A_352 = vector.broadcast %get3A_1 : vector<1x128xf32> to vector<512x128xf32>
    %add3A_353 = arith.addf %dot_general3A_351, %add3A_352 : vector<512x128xf32>
    %get3A_354 = arith.constant 18 : index
    %get3A_355 = arith.constant 0 : index
    %get3A_356 = arith.constant 0 : index
    %get3A_357 = vector.load %arg2[%get3A_354, %get3A_355, %get3A_356] : memref<32x512x128xf32, #tpu.memory_space<vmem>>, vector<1x512x128xf32>
    %get3A_358 = vector.shape_cast %get3A_357 : vector<1x512x128xf32> to vector<512x128xf32>
    %mul3A_359 = arith.mulf %add3A_353, %get3A_358 : vector<512x128xf32>
    %add3A_360 = arith.addf %add3A_341, %mul3A_359 : vector<512x128xf32>
    %get3A_361 = arith.constant 0 : index
    %get3A_362 = arith.constant 19 : index
    %get3A_363 = arith.constant 0 : index
    %get3A_364 = vector.load %arg1[%get3A_361, %get3A_362, %get3A_363] : memref<25x32x512xf32, #tpu.memory_space<vmem>>, vector<25x1x512xf32>
    %get3A_365 = vector.shape_cast %get3A_364 : vector<25x1x512xf32> to vector<25x512xf32>
    %get3A_366 = arith.constant 0 : index
    %get3A_367 = arith.constant 0 : index
    %get3A_368 = vector.load %arg3[%get3A_366, %get3A_367] : memref<25x128xf32, #tpu.memory_space<vmem>>, vector<25x128xf32>
    %dot_general3A_369 = arith.constant dense<0.000000e+00> : vector<512x128xf32>
    %dot_general3A_370 = tpu.matmul %get3A_365, %get3A_368, %dot_general3A_369 {dimension_numbers = #tpu.dot_dimension_numbers<[0], [0], [1], [1], [0, 1, 1, 1], [], []>, transpose_lhs_hint = false} : vector<25x512xf32>, vector<25x128xf32>, vector<512x128xf32> -> vector<512x128xf32>
    %add3A_371 = vector.broadcast %get3A_1 : vector<1x128xf32> to vector<512x128xf32>
    %add3A_372 = arith.addf %dot_general3A_370, %add3A_371 : vector<512x128xf32>
    %get3A_373 = arith.constant 19 : index
    %get3A_374 = arith.constant 0 : index
    %get3A_375 = arith.constant 0 : index
    %get3A_376 = vector.load %arg2[%get3A_373, %get3A_374, %get3A_375] : memref<32x512x128xf32, #tpu.memory_space<vmem>>, vector<1x512x128xf32>
    %get3A_377 = vector.shape_cast %get3A_376 : vector<1x512x128xf32> to vector<512x128xf32>
    %mul3A_378 = arith.mulf %add3A_372, %get3A_377 : vector<512x128xf32>
    %add3A_379 = arith.addf %add3A_360, %mul3A_378 : vector<512x128xf32>
    %get3A_380 = arith.constant 0 : index
    %get3A_381 = arith.constant 20 : index
    %get3A_382 = arith.constant 0 : index
    %get3A_383 = vector.load %arg1[%get3A_380, %get3A_381, %get3A_382] : memref<25x32x512xf32, #tpu.memory_space<vmem>>, vector<25x1x512xf32>
    %get3A_384 = vector.shape_cast %get3A_383 : vector<25x1x512xf32> to vector<25x512xf32>
    %get3A_385 = arith.constant 0 : index
    %get3A_386 = arith.constant 0 : index
    %get3A_387 = vector.load %arg3[%get3A_385, %get3A_386] : memref<25x128xf32, #tpu.memory_space<vmem>>, vector<25x128xf32>
    %dot_general3A_388 = arith.constant dense<0.000000e+00> : vector<512x128xf32>
    %dot_general3A_389 = tpu.matmul %get3A_384, %get3A_387, %dot_general3A_388 {dimension_numbers = #tpu.dot_dimension_numbers<[0], [0], [1], [1], [0, 1, 1, 1], [], []>, transpose_lhs_hint = false} : vector<25x512xf32>, vector<25x128xf32>, vector<512x128xf32> -> vector<512x128xf32>
    %add3A_390 = vector.broadcast %get3A_1 : vector<1x128xf32> to vector<512x128xf32>
    %add3A_391 = arith.addf %dot_general3A_389, %add3A_390 : vector<512x128xf32>
    %get3A_392 = arith.constant 20 : index
    %get3A_393 = arith.constant 0 : index
    %get3A_394 = arith.constant 0 : index
    %get3A_395 = vector.load %arg2[%get3A_392, %get3A_393, %get3A_394] : memref<32x512x128xf32, #tpu.memory_space<vmem>>, vector<1x512x128xf32>
    %get3A_396 = vector.shape_cast %get3A_395 : vector<1x512x128xf32> to vector<512x128xf32>
    %mul3A_397 = arith.mulf %add3A_391, %get3A_396 : vector<512x128xf32>
    %add3A_398 = arith.addf %add3A_379, %mul3A_397 : vector<512x128xf32>
    %get3A_399 = arith.constant 0 : index
    %get3A_400 = arith.constant 21 : index
    %get3A_401 = arith.constant 0 : index
    %get3A_402 = vector.load %arg1[%get3A_399, %get3A_400, %get3A_401] : memref<25x32x512xf32, #tpu.memory_space<vmem>>, vector<25x1x512xf32>
    %get3A_403 = vector.shape_cast %get3A_402 : vector<25x1x512xf32> to vector<25x512xf32>
    %get3A_404 = arith.constant 0 : index
    %get3A_405 = arith.constant 0 : index
    %get3A_406 = vector.load %arg3[%get3A_404, %get3A_405] : memref<25x128xf32, #tpu.memory_space<vmem>>, vector<25x128xf32>
    %dot_general3A_407 = arith.constant dense<0.000000e+00> : vector<512x128xf32>
    %dot_general3A_408 = tpu.matmul %get3A_403, %get3A_406, %dot_general3A_407 {dimension_numbers = #tpu.dot_dimension_numbers<[0], [0], [1], [1], [0, 1, 1, 1], [], []>, transpose_lhs_hint = false} : vector<25x512xf32>, vector<25x128xf32>, vector<512x128xf32> -> vector<512x128xf32>
    %add3A_409 = vector.broadcast %get3A_1 : vector<1x128xf32> to vector<512x128xf32>
    %add3A_410 = arith.addf %dot_general3A_408, %add3A_409 : vector<512x128xf32>
    %get3A_411 = arith.constant 21 : index
    %get3A_412 = arith.constant 0 : index
    %get3A_413 = arith.constant 0 : index
    %get3A_414 = vector.load %arg2[%get3A_411, %get3A_412, %get3A_413] : memref<32x512x128xf32, #tpu.memory_space<vmem>>, vector<1x512x128xf32>
    %get3A_415 = vector.shape_cast %get3A_414 : vector<1x512x128xf32> to vector<512x128xf32>
    %mul3A_416 = arith.mulf %add3A_410, %get3A_415 : vector<512x128xf32>
    %add3A_417 = arith.addf %add3A_398, %mul3A_416 : vector<512x128xf32>
    %get3A_418 = arith.constant 0 : index
    %get3A_419 = arith.constant 22 : index
    %get3A_420 = arith.constant 0 : index
    %get3A_421 = vector.load %arg1[%get3A_418, %get3A_419, %get3A_420] : memref<25x32x512xf32, #tpu.memory_space<vmem>>, vector<25x1x512xf32>
    %get3A_422 = vector.shape_cast %get3A_421 : vector<25x1x512xf32> to vector<25x512xf32>
    %get3A_423 = arith.constant 0 : index
    %get3A_424 = arith.constant 0 : index
    %get3A_425 = vector.load %arg3[%get3A_423, %get3A_424] : memref<25x128xf32, #tpu.memory_space<vmem>>, vector<25x128xf32>
    %dot_general3A_426 = arith.constant dense<0.000000e+00> : vector<512x128xf32>
    %dot_general3A_427 = tpu.matmul %get3A_422, %get3A_425, %dot_general3A_426 {dimension_numbers = #tpu.dot_dimension_numbers<[0], [0], [1], [1], [0, 1, 1, 1], [], []>, transpose_lhs_hint = false} : vector<25x512xf32>, vector<25x128xf32>, vector<512x128xf32> -> vector<512x128xf32>
    %add3A_428 = vector.broadcast %get3A_1 : vector<1x128xf32> to vector<512x128xf32>
    %add3A_429 = arith.addf %dot_general3A_427, %add3A_428 : vector<512x128xf32>
    %get3A_430 = arith.constant 22 : index
    %get3A_431 = arith.constant 0 : index
    %get3A_432 = arith.constant 0 : index
    %get3A_433 = vector.load %arg2[%get3A_430, %get3A_431, %get3A_432] : memref<32x512x128xf32, #tpu.memory_space<vmem>>, vector<1x512x128xf32>
    %get3A_434 = vector.shape_cast %get3A_433 : vector<1x512x128xf32> to vector<512x128xf32>
    %mul3A_435 = arith.mulf %add3A_429, %get3A_434 : vector<512x128xf32>
    %add3A_436 = arith.addf %add3A_417, %mul3A_435 : vector<512x128xf32>
    %get3A_437 = arith.constant 0 : index
    %get3A_438 = arith.constant 23 : index
    %get3A_439 = arith.constant 0 : index
    %get3A_440 = vector.load %arg1[%get3A_437, %get3A_438, %get3A_439] : memref<25x32x512xf32, #tpu.memory_space<vmem>>, vector<25x1x512xf32>
    %get3A_441 = vector.shape_cast %get3A_440 : vector<25x1x512xf32> to vector<25x512xf32>
    %get3A_442 = arith.constant 0 : index
    %get3A_443 = arith.constant 0 : index
    %get3A_444 = vector.load %arg3[%get3A_442, %get3A_443] : memref<25x128xf32, #tpu.memory_space<vmem>>, vector<25x128xf32>
    %dot_general3A_445 = arith.constant dense<0.000000e+00> : vector<512x128xf32>
    %dot_general3A_446 = tpu.matmul %get3A_441, %get3A_444, %dot_general3A_445 {dimension_numbers = #tpu.dot_dimension_numbers<[0], [0], [1], [1], [0, 1, 1, 1], [], []>, transpose_lhs_hint = false} : vector<25x512xf32>, vector<25x128xf32>, vector<512x128xf32> -> vector<512x128xf32>
    %add3A_447 = vector.broadcast %get3A_1 : vector<1x128xf32> to vector<512x128xf32>
    %add3A_448 = arith.addf %dot_general3A_446, %add3A_447 : vector<512x128xf32>
    %get3A_449 = arith.constant 23 : index
    %get3A_450 = arith.constant 0 : index
    %get3A_451 = arith.constant 0 : index
    %get3A_452 = vector.load %arg2[%get3A_449, %get3A_450, %get3A_451] : memref<32x512x128xf32, #tpu.memory_space<vmem>>, vector<1x512x128xf32>
    %get3A_453 = vector.shape_cast %get3A_452 : vector<1x512x128xf32> to vector<512x128xf32>
    %mul3A_454 = arith.mulf %add3A_448, %get3A_453 : vector<512x128xf32>
    %add3A_455 = arith.addf %add3A_436, %mul3A_454 : vector<512x128xf32>
    %get3A_456 = arith.constant 0 : index
    %get3A_457 = arith.constant 24 : index
    %get3A_458 = arith.constant 0 : index
    %get3A_459 = vector.load %arg1[%get3A_456, %get3A_457, %get3A_458] : memref<25x32x512xf32, #tpu.memory_space<vmem>>, vector<25x1x512xf32>
    %get3A_460 = vector.shape_cast %get3A_459 : vector<25x1x512xf32> to vector<25x512xf32>
    %get3A_461 = arith.constant 0 : index
    %get3A_462 = arith.constant 0 : index
    %get3A_463 = vector.load %arg3[%get3A_461, %get3A_462] : memref<25x128xf32, #tpu.memory_space<vmem>>, vector<25x128xf32>
    %dot_general3A_464 = arith.constant dense<0.000000e+00> : vector<512x128xf32>
    %dot_general3A_465 = tpu.matmul %get3A_460, %get3A_463, %dot_general3A_464 {dimension_numbers = #tpu.dot_dimension_numbers<[0], [0], [1], [1], [0, 1, 1, 1], [], []>, transpose_lhs_hint = false} : vector<25x512xf32>, vector<25x128xf32>, vector<512x128xf32> -> vector<512x128xf32>
    %add3A_466 = vector.broadcast %get3A_1 : vector<1x128xf32> to vector<512x128xf32>
    %add3A_467 = arith.addf %dot_general3A_465, %add3A_466 : vector<512x128xf32>
    %get3A_468 = arith.constant 24 : index
    %get3A_469 = arith.constant 0 : index
    %get3A_470 = arith.constant 0 : index
    %get3A_471 = vector.load %arg2[%get3A_468, %get3A_469, %get3A_470] : memref<32x512x128xf32, #tpu.memory_space<vmem>>, vector<1x512x128xf32>
    %get3A_472 = vector.shape_cast %get3A_471 : vector<1x512x128xf32> to vector<512x128xf32>
    %mul3A_473 = arith.mulf %add3A_467, %get3A_472 : vector<512x128xf32>
    %add3A_474 = arith.addf %add3A_455, %mul3A_473 : vector<512x128xf32>
    %get3A_475 = arith.constant 0 : index
    %get3A_476 = arith.constant 25 : index
    %get3A_477 = arith.constant 0 : index
    %get3A_478 = vector.load %arg1[%get3A_475, %get3A_476, %get3A_477] : memref<25x32x512xf32, #tpu.memory_space<vmem>>, vector<25x1x512xf32>
    %get3A_479 = vector.shape_cast %get3A_478 : vector<25x1x512xf32> to vector<25x512xf32>
    %get3A_480 = arith.constant 0 : index
    %get3A_481 = arith.constant 0 : index
    %get3A_482 = vector.load %arg3[%get3A_480, %get3A_481] : memref<25x128xf32, #tpu.memory_space<vmem>>, vector<25x128xf32>
    %dot_general3A_483 = arith.constant dense<0.000000e+00> : vector<512x128xf32>
    %dot_general3A_484 = tpu.matmul %get3A_479, %get3A_482, %dot_general3A_483 {dimension_numbers = #tpu.dot_dimension_numbers<[0], [0], [1], [1], [0, 1, 1, 1], [], []>, transpose_lhs_hint = false} : vector<25x512xf32>, vector<25x128xf32>, vector<512x128xf32> -> vector<512x128xf32>
    %add3A_485 = vector.broadcast %get3A_1 : vector<1x128xf32> to vector<512x128xf32>
    %add3A_486 = arith.addf %dot_general3A_484, %add3A_485 : vector<512x128xf32>
    %get3A_487 = arith.constant 25 : index
    %get3A_488 = arith.constant 0 : index
    %get3A_489 = arith.constant 0 : index
    %get3A_490 = vector.load %arg2[%get3A_487, %get3A_488, %get3A_489] : memref<32x512x128xf32, #tpu.memory_space<vmem>>, vector<1x512x128xf32>
    %get3A_491 = vector.shape_cast %get3A_490 : vector<1x512x128xf32> to vector<512x128xf32>
    %mul3A_492 = arith.mulf %add3A_486, %get3A_491 : vector<512x128xf32>
    %add3A_493 = arith.addf %add3A_474, %mul3A_492 : vector<512x128xf32>
    %get3A_494 = arith.constant 0 : index
    %get3A_495 = arith.constant 26 : index
    %get3A_496 = arith.constant 0 : index
    %get3A_497 = vector.load %arg1[%get3A_494, %get3A_495, %get3A_496] : memref<25x32x512xf32, #tpu.memory_space<vmem>>, vector<25x1x512xf32>
    %get3A_498 = vector.shape_cast %get3A_497 : vector<25x1x512xf32> to vector<25x512xf32>
    %get3A_499 = arith.constant 0 : index
    %get3A_500 = arith.constant 0 : index
    %get3A_501 = vector.load %arg3[%get3A_499, %get3A_500] : memref<25x128xf32, #tpu.memory_space<vmem>>, vector<25x128xf32>
    %dot_general3A_502 = arith.constant dense<0.000000e+00> : vector<512x128xf32>
    %dot_general3A_503 = tpu.matmul %get3A_498, %get3A_501, %dot_general3A_502 {dimension_numbers = #tpu.dot_dimension_numbers<[0], [0], [1], [1], [0, 1, 1, 1], [], []>, transpose_lhs_hint = false} : vector<25x512xf32>, vector<25x128xf32>, vector<512x128xf32> -> vector<512x128xf32>
    %add3A_504 = vector.broadcast %get3A_1 : vector<1x128xf32> to vector<512x128xf32>
    %add3A_505 = arith.addf %dot_general3A_503, %add3A_504 : vector<512x128xf32>
    %get3A_506 = arith.constant 26 : index
    %get3A_507 = arith.constant 0 : index
    %get3A_508 = arith.constant 0 : index
    %get3A_509 = vector.load %arg2[%get3A_506, %get3A_507, %get3A_508] : memref<32x512x128xf32, #tpu.memory_space<vmem>>, vector<1x512x128xf32>
    %get3A_510 = vector.shape_cast %get3A_509 : vector<1x512x128xf32> to vector<512x128xf32>
    %mul3A_511 = arith.mulf %add3A_505, %get3A_510 : vector<512x128xf32>
    %add3A_512 = arith.addf %add3A_493, %mul3A_511 : vector<512x128xf32>
    %get3A_513 = arith.constant 0 : index
    %get3A_514 = arith.constant 27 : index
    %get3A_515 = arith.constant 0 : index
    %get3A_516 = vector.load %arg1[%get3A_513, %get3A_514, %get3A_515] : memref<25x32x512xf32, #tpu.memory_space<vmem>>, vector<25x1x512xf32>
    %get3A_517 = vector.shape_cast %get3A_516 : vector<25x1x512xf32> to vector<25x512xf32>
    %get3A_518 = arith.constant 0 : index
    %get3A_519 = arith.constant 0 : index
    %get3A_520 = vector.load %arg3[%get3A_518, %get3A_519] : memref<25x128xf32, #tpu.memory_space<vmem>>, vector<25x128xf32>
    %dot_general3A_521 = arith.constant dense<0.000000e+00> : vector<512x128xf32>
    %dot_general3A_522 = tpu.matmul %get3A_517, %get3A_520, %dot_general3A_521 {dimension_numbers = #tpu.dot_dimension_numbers<[0], [0], [1], [1], [0, 1, 1, 1], [], []>, transpose_lhs_hint = false} : vector<25x512xf32>, vector<25x128xf32>, vector<512x128xf32> -> vector<512x128xf32>
    %add3A_523 = vector.broadcast %get3A_1 : vector<1x128xf32> to vector<512x128xf32>
    %add3A_524 = arith.addf %dot_general3A_522, %add3A_523 : vector<512x128xf32>
    %get3A_525 = arith.constant 27 : index
    %get3A_526 = arith.constant 0 : index
    %get3A_527 = arith.constant 0 : index
    %get3A_528 = vector.load %arg2[%get3A_525, %get3A_526, %get3A_527] : memref<32x512x128xf32, #tpu.memory_space<vmem>>, vector<1x512x128xf32>
    %get3A_529 = vector.shape_cast %get3A_528 : vector<1x512x128xf32> to vector<512x128xf32>
    %mul3A_530 = arith.mulf %add3A_524, %get3A_529 : vector<512x128xf32>
    %add3A_531 = arith.addf %add3A_512, %mul3A_530 : vector<512x128xf32>
    %get3A_532 = arith.constant 0 : index
    %get3A_533 = arith.constant 28 : index
    %get3A_534 = arith.constant 0 : index
    %get3A_535 = vector.load %arg1[%get3A_532, %get3A_533, %get3A_534] : memref<25x32x512xf32, #tpu.memory_space<vmem>>, vector<25x1x512xf32>
    %get3A_536 = vector.shape_cast %get3A_535 : vector<25x1x512xf32> to vector<25x512xf32>
    %get3A_537 = arith.constant 0 : index
    %get3A_538 = arith.constant 0 : index
    %get3A_539 = vector.load %arg3[%get3A_537, %get3A_538] : memref<25x128xf32, #tpu.memory_space<vmem>>, vector<25x128xf32>
    %dot_general3A_540 = arith.constant dense<0.000000e+00> : vector<512x128xf32>
    %dot_general3A_541 = tpu.matmul %get3A_536, %get3A_539, %dot_general3A_540 {dimension_numbers = #tpu.dot_dimension_numbers<[0], [0], [1], [1], [0, 1, 1, 1], [], []>, transpose_lhs_hint = false} : vector<25x512xf32>, vector<25x128xf32>, vector<512x128xf32> -> vector<512x128xf32>
    %add3A_542 = vector.broadcast %get3A_1 : vector<1x128xf32> to vector<512x128xf32>
    %add3A_543 = arith.addf %dot_general3A_541, %add3A_542 : vector<512x128xf32>
    %get3A_544 = arith.constant 28 : index
    %get3A_545 = arith.constant 0 : index
    %get3A_546 = arith.constant 0 : index
    %get3A_547 = vector.load %arg2[%get3A_544, %get3A_545, %get3A_546] : memref<32x512x128xf32, #tpu.memory_space<vmem>>, vector<1x512x128xf32>
    %get3A_548 = vector.shape_cast %get3A_547 : vector<1x512x128xf32> to vector<512x128xf32>
    %mul3A_549 = arith.mulf %add3A_543, %get3A_548 : vector<512x128xf32>
    %add3A_550 = arith.addf %add3A_531, %mul3A_549 : vector<512x128xf32>
    %get3A_551 = arith.constant 0 : index
    %get3A_552 = arith.constant 29 : index
    %get3A_553 = arith.constant 0 : index
    %get3A_554 = vector.load %arg1[%get3A_551, %get3A_552, %get3A_553] : memref<25x32x512xf32, #tpu.memory_space<vmem>>, vector<25x1x512xf32>
    %get3A_555 = vector.shape_cast %get3A_554 : vector<25x1x512xf32> to vector<25x512xf32>
    %get3A_556 = arith.constant 0 : index
    %get3A_557 = arith.constant 0 : index
    %get3A_558 = vector.load %arg3[%get3A_556, %get3A_557] : memref<25x128xf32, #tpu.memory_space<vmem>>, vector<25x128xf32>
    %dot_general3A_559 = arith.constant dense<0.000000e+00> : vector<512x128xf32>
    %dot_general3A_560 = tpu.matmul %get3A_555, %get3A_558, %dot_general3A_559 {dimension_numbers = #tpu.dot_dimension_numbers<[0], [0], [1], [1], [0, 1, 1, 1], [], []>, transpose_lhs_hint = false} : vector<25x512xf32>, vector<25x128xf32>, vector<512x128xf32> -> vector<512x128xf32>
    %add3A_561 = vector.broadcast %get3A_1 : vector<1x128xf32> to vector<512x128xf32>
    %add3A_562 = arith.addf %dot_general3A_560, %add3A_561 : vector<512x128xf32>
    %get3A_563 = arith.constant 29 : index
    %get3A_564 = arith.constant 0 : index
    %get3A_565 = arith.constant 0 : index
    %get3A_566 = vector.load %arg2[%get3A_563, %get3A_564, %get3A_565] : memref<32x512x128xf32, #tpu.memory_space<vmem>>, vector<1x512x128xf32>
    %get3A_567 = vector.shape_cast %get3A_566 : vector<1x512x128xf32> to vector<512x128xf32>
    %mul3A_568 = arith.mulf %add3A_562, %get3A_567 : vector<512x128xf32>
    %add3A_569 = arith.addf %add3A_550, %mul3A_568 : vector<512x128xf32>
    %get3A_570 = arith.constant 0 : index
    %get3A_571 = arith.constant 30 : index
    %get3A_572 = arith.constant 0 : index
    %get3A_573 = vector.load %arg1[%get3A_570, %get3A_571, %get3A_572] : memref<25x32x512xf32, #tpu.memory_space<vmem>>, vector<25x1x512xf32>
    %get3A_574 = vector.shape_cast %get3A_573 : vector<25x1x512xf32> to vector<25x512xf32>
    %get3A_575 = arith.constant 0 : index
    %get3A_576 = arith.constant 0 : index
    %get3A_577 = vector.load %arg3[%get3A_575, %get3A_576] : memref<25x128xf32, #tpu.memory_space<vmem>>, vector<25x128xf32>
    %dot_general3A_578 = arith.constant dense<0.000000e+00> : vector<512x128xf32>
    %dot_general3A_579 = tpu.matmul %get3A_574, %get3A_577, %dot_general3A_578 {dimension_numbers = #tpu.dot_dimension_numbers<[0], [0], [1], [1], [0, 1, 1, 1], [], []>, transpose_lhs_hint = false} : vector<25x512xf32>, vector<25x128xf32>, vector<512x128xf32> -> vector<512x128xf32>
    %add3A_580 = vector.broadcast %get3A_1 : vector<1x128xf32> to vector<512x128xf32>
    %add3A_581 = arith.addf %dot_general3A_579, %add3A_580 : vector<512x128xf32>
    %get3A_582 = arith.constant 30 : index
    %get3A_583 = arith.constant 0 : index
    %get3A_584 = arith.constant 0 : index
    %get3A_585 = vector.load %arg2[%get3A_582, %get3A_583, %get3A_584] : memref<32x512x128xf32, #tpu.memory_space<vmem>>, vector<1x512x128xf32>
    %get3A_586 = vector.shape_cast %get3A_585 : vector<1x512x128xf32> to vector<512x128xf32>
    %mul3A_587 = arith.mulf %add3A_581, %get3A_586 : vector<512x128xf32>
    %add3A_588 = arith.addf %add3A_569, %mul3A_587 : vector<512x128xf32>
    %get3A_589 = arith.constant 0 : index
    %get3A_590 = arith.constant 31 : index
    %get3A_591 = arith.constant 0 : index
    %get3A_592 = vector.load %arg1[%get3A_589, %get3A_590, %get3A_591] : memref<25x32x512xf32, #tpu.memory_space<vmem>>, vector<25x1x512xf32>
    %get3A_593 = vector.shape_cast %get3A_592 : vector<25x1x512xf32> to vector<25x512xf32>
    %get3A_594 = arith.constant 0 : index
    %get3A_595 = arith.constant 0 : index
    %get3A_596 = vector.load %arg3[%get3A_594, %get3A_595] : memref<25x128xf32, #tpu.memory_space<vmem>>, vector<25x128xf32>
    %dot_general3A_597 = arith.constant dense<0.000000e+00> : vector<512x128xf32>
    %dot_general3A_598 = tpu.matmul %get3A_593, %get3A_596, %dot_general3A_597 {dimension_numbers = #tpu.dot_dimension_numbers<[0], [0], [1], [1], [0, 1, 1, 1], [], []>, transpose_lhs_hint = false} : vector<25x512xf32>, vector<25x128xf32>, vector<512x128xf32> -> vector<512x128xf32>
    %add3A_599 = vector.broadcast %get3A_1 : vector<1x128xf32> to vector<512x128xf32>
    %add3A_600 = arith.addf %dot_general3A_598, %add3A_599 : vector<512x128xf32>
    %get3A_601 = arith.constant 31 : index
    %get3A_602 = arith.constant 0 : index
    %get3A_603 = arith.constant 0 : index
    %get3A_604 = vector.load %arg2[%get3A_601, %get3A_602, %get3A_603] : memref<32x512x128xf32, #tpu.memory_space<vmem>>, vector<1x512x128xf32>
    %get3A_605 = vector.shape_cast %get3A_604 : vector<1x512x128xf32> to vector<512x128xf32>
    %mul3A_606 = arith.mulf %add3A_600, %get3A_605 : vector<512x128xf32>
    %add3A_607 = arith.addf %add3A_588, %mul3A_606 : vector<512x128xf32>
    %get3A_608 = arith.constant 0 : index
    %get3A_609 = arith.constant 0 : index
    %get3A_610 = vector.load %arg5[%get3A_608, %get3A_609] : memref<128x128xf32, #tpu.memory_space<vmem>>, vector<128x128xf32>
    %dot_general3A_611 = arith.constant dense<0.000000e+00> : vector<512x128xf32>
    %dot_general3A_612 = tpu.matmul %add3A_607, %get3A_610, %dot_general3A_611 {dimension_numbers = #tpu.dot_dimension_numbers<[1], [0], [0], [1], [0, 0, 1, 1], [], []>, transpose_lhs_hint = false} : vector<512x128xf32>, vector<128x128xf32>, vector<512x128xf32> -> vector<512x128xf32>
    %get3A_613 = arith.constant 0 : index
    %get3A_614 = arith.constant 0 : index
    %get3A_615 = vector.load %arg6[%get3A_613, %get3A_614] : memref<1x128xf32, #tpu.memory_space<vmem>>, vector<1x128xf32>
    %add3A_616 = vector.broadcast %get3A_615 : vector<1x128xf32> to vector<512x128xf32>
    %add3A_617 = arith.addf %dot_general3A_612, %add3A_616 : vector<512x128xf32>
    %swap3A = arith.constant 0 : index
    %swap3A_618 = arith.constant 0 : index
    %swap3A_619 = vector.load %arg7[%swap3A, %swap3A_618] : memref<512x128xf32, #tpu.memory_space<vmem>>, vector<512x128xf32>
    tpu.vector_store %arg7[%swap3A, %swap3A_618], %add3A_617 {strides = array<i32>} : memref<512x128xf32, #tpu.memory_space<vmem>>, vector<512x128xf32>,
    return
  }
  func.func @transform_0(%arg0: i32) -> (i32, i32, i32) {
    %c0_i32 = arith.constant 0 : i32
    %c0_i32_0 = arith.constant 0 : i32
    %c0_i32_1 = arith.constant 0 : i32
    return %c0_i32, %c0_i32_0, %arg0 : i32, i32, i32
  }
  func.func @transform_1(%arg0: i32) -> (i32, i32, i32) {
    %c0_i32 = arith.constant 0 : i32
    %c0_i32_0 = arith.constant 0 : i32
    %c0_i32_1 = arith.constant 0 : i32
    return %c0_i32, %arg0, %c0_i32_0 : i32, i32, i32
  }
  func.func @transform_2(%arg0: i32) -> (i32, i32) {
    %c0_i32 = arith.constant 0 : i32
    %c0_i32_0 = arith.constant 0 : i32
    %c0_i32_1 = arith.constant 0 : i32
    return %c0_i32, %c0_i32_0 : i32, i32
  }
  func.func @transform_3(%arg0: i32) -> (i32, i32) {
    %c0_i32 = arith.constant 0 : i32
    %c0_i32_0 = arith.constant 0 : i32
    %c0_i32_1 = arith.constant 0 : i32
    return %c0_i32, %c0_i32_0 : i32, i32
  }
  func.func @transform_4(%arg0: i32) -> (i32, i32) {
    %c0_i32 = arith.constant 0 : i32
    %c0_i32_0 = arith.constant 0 : i32
    %c0_i32_1 = arith.constant 0 : i32
    return %c0_i32, %c0_i32_0 : i32, i32
  }
  func.func @transform_5(%arg0: i32) -> (i32, i32) {
    %c0_i32 = arith.constant 0 : i32
    %c0_i32_0 = arith.constant 0 : i32
    %c0_i32_1 = arith.constant 0 : i32
    return %c0_i32, %c0_i32_0 : i32, i32
  }
  func.func @transform_6(%arg0: i32) -> (i32, i32) {
    %c0_i32 = arith.constant 0 : i32
    %c0_i32_0 = arith.constant 0 : i32
    return %arg0, %c0_i32 : i32, i32
  }
}

</mosaic_0001>

<sc_bundles>
// kernel: kernel.5.cloned.1.call-start
scs
__scs_entry_jumppad:
0x0: {  	(pc) =	sbr.rel $0x88, $3  }
0x1: {  	(tag) =	ssettag $0x0;
	lr =	simm.s32 $0x1  }
0x2: {  	[smem:$0x3F97] =	sst lr;
	_ =	strace $0xD0000000  }
0x3: {  	_ = 	snop  }
0x4: {  	_ = 	snop  }
0x5: {  	_ = 	snop  }
0x6: {  	_ = 	snop  }
0x7: {  	_ = 	snop  }
__scs_overlays_trampoline_lowered:
0x8: {  	[smem:$0x3FA6] =	sst s0  }
0x9: {  	[smem:$0x3FA7] =	sst s1  }
0xa: {  	[smem:$0x3FA8] =	sst s2  }
0xb: {  	[smem:$0x3FA9] =	sst s3  }
0xc: {  	[smem:$0x3FAA] =	sst s4  }
0xd: {  	[smem:$0x3FAB] =	sst s5  }
0xe: {  	[smem:$0x3FAC] =	sst s6  }
0xf: {  	[smem:$0x3FAD] =	sst s7  }
0x10: {  	[smem:$0x3FAE] =	sst s8  }
0x11: {  	[smem:$0x3FAF] =	sst s9;
	s0 =	simm.s32 @!p0 $0x0  }
0x12: {  	s1 =	sld [smem:$0x3F95];
	s0 =	simm.s32 @p0 $0x1  }
0x13: {  	[smem:$0x3FB0] =	sst s0;
	s0 =	simm.s32 @!p1 $0x0  }
0x14: {  	s2 =	sld [smem:$0x3F94];
	s0 =	simm.s32 @p1 $0x1  }
0x15: {  	[smem:$0x3FB1] =	sst s0;
	s0 =	simm.s32 @!p2 $0x0  }
0x16: {  	s3 =	sld [smem:$0x3FDB];
	s0 =	simm.s32 @p2 $0x1  }
0x17: {  	s4 =	simm.s32 $0x1BF5;
	[smem:$0x3FB3] =	sst s0  }
0x18: {  	s0 =	sld [smem:$0x3F96];
	_ =	swait.ge [sflag:s4], $0x0  }
0x19: {  	s7 =	sld [smem:$0x3F97]  }
0x1a: {  	s8 =	sadd.s32 $0xFFFFE003, lr  }
0x1b: {  	s9 =	sadd.s32 $0xFFFFFEF7, lr;
	s5 =	simm.s32 $0xFFFFFFFF;
	p2 =	slt.u32 s8, $0xFFFFF086  }
0x1c: {  	p1 =	slt.u32 s9, $0xF7A;
	s5 =	simm.s32 @!p2 $0x0  }
0x1d: {  	s5 =	simm.s32 @p1 $0x1;
	p0 =	seq.s32 s7, s2  }
0x1e: {  	s7 =	smul.u32 @!p0 $0xF7A, s2;
	p2 =	seq.s32 @!p0 s5, $0x0  }
0x1f: {  	s9 =	smul.u32 $0xF7A, s1;
	s8 =	simm.s32 @!p0 $0x1BF5;
	p2 =	por !p2, p0  }
0x20: {  	[sflag:s8] =	ssyncset.s32 @!p0 $0xFFFFF086;
	s6 =	sadd.s32 @!p0 s3, s7;
	s7 =	simm.s32 @!p0 $0x108  }
0x21: {  	s3 =	sadd.s32 s3, s9;
	s6 =	sadd.s32 @!p0 $0x88, s6;
	s7 =	simm.s32 @p2 $0x1082  }
0x22: {  	[simem:s7], [sflag:s8] =	dma.local @!p0 [hbm:s6], $0xF7A  }
0x23: {  	s9 =	sor.u32 $0xD0000000, s2;
	s6 =	simm.s32 $0x108;
	_ =	swait.ge @!p0 [sflag:s8], $0x0  }
0x24: {  	s3 =	sadd.s32 $0x88, s3;
	s6 =	simm.s32 @!p1 $0x1082;
	[sflag:s4] =	ssyncset.s32 $0xFFFFF086  }
0x25: {  	[simem:s6], [sflag:s4] =	dma.local [hbm:s3], $0xF7A  }
0x26: {  	[smem:$0x3F97] =	sst s1;
	(tag) =	ssettag s2;
	_ =	strace s9  }
0x27: {  	s1 =	sld [smem:$0x3FA7]  }
0x28: {  	s2 =	sld [smem:$0x3FA8]  }
0x29: {  	s4 =	sld [smem:$0x3FAA]  }
0x2a: {  	p0 =	seq.s32 s5, $0x0;
	s5 =	sld [smem:$0x3FAB]  }
0x2b: {  	s6 =	sld [smem:$0x3FAC]  }
0x2c: {  	s7 =	sld [smem:$0x3FAD]  }
0x2d: {  	s3 =	simm.s32 $0x108;
	s8 =	sld [smem:$0x3FAE]  }
0x2e: {  	s3 =	simm.s32 @!p0 $0x1082;
	s9 =	sld [smem:$0x3FAF]  }
0x2f: {  	lr =	sadd.s32 s0, s3;
	s0 =	sld [smem:$0x3FA6]  }
0x30: {  	s3 =	sld [smem:$0x3FA9]  }
0x31: {  	[smem:$0x3FB2] =	sst s10  }
0x32: {  	s10 =	sld [smem:$0x3FB0];
	_ =	sdelay $0x3  }
0x33: {  	p0 =	seq.s32 s10, $0x1;
	s10 =	sld [smem:$0x3FB2];
	_ =	sdelay $0x3  }
0x34: {  	[smem:$0x3FB2] =	sst s10  }
0x35: {  	s10 =	sld [smem:$0x3FB1];
	_ =	sdelay $0x3  }
0x36: {  	p1 =	seq.s32 s10, $0x1;
	s10 =	sld [smem:$0x3FB2];
	_ =	sdelay $0x3  }
0x37: {  	[smem:$0x3FB2] =	sst s10  }
0x38: {  	s10 =	sld [smem:$0x3FB3]  }
0x39: {  	_ = 	snop;
	(pc) =	sbr.ind lr, $3  }
0x3a: {  	_ = 	snop  }
0x3b: {  	_ = 	snop  }
0x3c: {  	p2 =	seq.s32 s10, $0x1;
	s10 =	sld [smem:$0x3FB2]  }
0x3d: {  	_ =	shalt  }
0x3e: {  	_ =	shalt  }
0x3f: {  	_ =	shalt  }
0x40: {  	_ =	shalt  }
0x41: {  	_ =	shalt  }
0x42: {  	_ =	shalt  }
0x43: {  	_ =	shalt  }
0x44: {  	_ =	shalt  }
0x45: {  	_ =	shalt  }
0x46: {  	_ =	shalt  }
0x47: {  	_ =	shalt  }
0x48: {  	_ =	shalt  }
0x49: {  	_ =	shalt  }
0x4a: {  	_ =	shalt  }
0x4b: {  	_ =	shalt  }
0x4c: {  	_ =	shalt  }
0x4d: {  	_ =	shalt  }
0x4e: {  	_ =	shalt  }
0x4f: {  	_ =	shalt  }
0x50: {  	_ =	shalt  }
0x51: {  	_ =	shalt  }
0x52: {  	_ =	shalt  }
0x53: {  	_ =	shalt  }
0x54: {  	_ =	shalt  }
0x55: {  	_ =	shalt  }
0x56: {  	_ =	shalt  }
0x57: {  	_ =	shalt  }
0x58: {  	_ =	shalt  }
0x59: {  	_ =	shalt  }
0x5a: {  	_ =	shalt  }
0x5b: {  	_ =	shalt  }
0x5c: {  	_ =	shalt  }
0x5d: {  	_ =	shalt  }
0x5e: {  	_ =	shalt  }
0x5f: {  	_ =	shalt  }
0x60: {  	_ =	shalt  }
0x61: {  	_ =	shalt  }
0x62: {  	_ =	shalt  }
0x63: {  	_ =	shalt  }
0x64: {  	_ =	shalt  }
0x65: {  	_ =	shalt  }
0x66: {  	_ =	shalt  }
0x67: {  	_ =	shalt  }
0x68: {  	_ =	shalt  }
0x69: {  	_ =	shalt  }
0x6a: {  	_ =	shalt  }
0x6b: {  	_ =	shalt  }
0x6c: {  	_ =	shalt  }
0x6d: {  	_ =	shalt  }
0x6e: {  	_ =	shalt  }
0x6f: {  	_ =	shalt  }
0x70: {  	_ =	shalt  }
0x71: {  	_ =	shalt  }
0x72: {  	_ =	shalt  }
0x73: {  	_ =	shalt  }
0x74: {  	_ =	shalt  }
0x75: {  	_ =	shalt  }
0x76: {  	_ =	shalt  }
0x77: {  	_ =	shalt  }
0x78: {  	_ =	shalt  }
0x79: {  	_ =	shalt  }
0x7a: {  	_ =	shalt  }
0x7b: {  	_ =	shalt  }
0x7c: {  	_ =	shalt  }
0x7d: {  	_ =	shalt  }
0x7e: {  	_ =	shalt  }
0x7f: {  	_ =	shalt  }
0x80: {  	_ =	shalt  }
0x81: {  	_ =	shalt  }
0x82: {  	_ =	shalt  }
0x83: {  	_ =	shalt  }
0x84: {  	_ =	shalt  }
0x85: {  	_ =	shalt  }
0x86: {  	_ =	shalt  }
0x87: {  	_ =	shalt  }
.Lfunc_end0:
.L_simem_size_0:
called_computation_lowered:
.L_overlay_start_0:
0x88: {  	s2 =	sld [smem:$0x3FD9]  }
0x89: {  	s3 =	sld [smem:$0x3FFE];
	_ =	sdelay $0x1  }
0x8a: {  	s1 =	srdreg.scid  }
0x8b: {  	s0 =	sand.u32 $0x1, s1  }
0x8c: {  	s17 =	sshll.u32 s0, $0xA;
	s2 =	sadd.s32 s3, s2  }
0x8d: {  	s2 =	sadd.s32 s2, s17  }
0x8e: {  	[smem:$0x3FBE] =	sst s2  }
0x8f: {  	_ = 	snop  }
0x90: {  	s2 =	sld [smem:$0x3FC8]  }
0x91: {  	s18 =	sld [smem:$0x3FD0];
	(tm) =	ssettm $0x1  }
0x92: {  	s4 =	sld [smem:$0x3FFB];
	_ =	sdelay $0x3  }
0x93: {  	_ =	strace s4  }
0x94: {  	s4 =	sld [smem:$0x3FFC];
	_ =	sdelay $0x3  }
0x95: {  	_ =	strace s4  }
0x96: {  	s4 =	sld [smem:$0x3FFD];
	_ =	sdelay $0x3  }
0x97: {  	_ =	strace s4  }
0x98: {  	_ =	strace $0x8FFFFFFF  }
0x99: {  	s19 =	sld [smem:$0x3FDB];
	_ =	sdelay $0x1  }
0x9a: {  	s5 =	simm.s32 $_scs_section_size  }
0x9b: {  	s6 =	simm.s32 $_size__tile_overlayer_lowered;
	s7 =	simm.s32 $_tile_overlayer_lowered  }
0x9c: {  	s22 =	simm.s32 $0x1BFF;
	s21 =	sshll.u32 s7, $0x1;
	s4 =	sadd.s32 s5, s19  }
0x9d: {  	s8 =	simm.s32 $0x0;
	s20 =	sshll.u32 s6, $0x1;
	s6 =	sadd.s32 s21, s4  }
0x9e: {  	[timem:s8], [sflag:s22] =	dma.local [hbm:s6], s20  }
0x9f: {  	_ =	swait.ge [sflag:s22], s20  }
0xa0: {  	s5 =	ssub.s32 $0x0, s20;
	[sflag:s22] =	ssyncset.done $0x0  }
0xa1: {  	[sflag:s22] =	ssyncadd.s32 s5;
	_ =	sdelay $0x1  }
0xa2: {  	s23 =	simm.s32 $0x1B8B  }
0xa3: {  	_ =	swait.ge [sflag:s23], $0x1  }
0xa4: {  	[sflag:s23] =	ssyncset.done $0x0  }
0xa5: {  	s25 =	simm.s32 $0x1B8E;
	s24 =	sld [smem:$0x3FFE];
	[sflag:s23] =	ssyncadd.s32 $0xFFFFFFFF  }
0xa6: {  	s26 =	simm.s32 $execute0_lowered;
	[smem:$0x3FD2] =	sst s25  }
0xa7: {  	s6 =	sshll.u32 s26, $0x1;
	_ =	strace $0x80000046;
	[dreg:$0x1] =	wrdreg $0xFFFFFFFF  }
0xa8: {  	s28 =	simm.s32 $_size_execute0_lowered;
	s4 =	sadd.s32 s4, s6;
	[dreg:$0x0] =	wrdreg $0x0  }
0xa9: {  	s6 =	sshll.u32 s28, $0x1;
	[dreg:$0x2] =	wrdreg s4  }
0xaa: {  	[dreg:$0x3] =	wrdreg s6  }
0xab: {  	[dreg:$0x4] =	wrdreg $0xC0  }
0xac: {  	_ =	task [dreg:s8], $0x5FFFF  }
0xad: {  	[dreg:$0x1] =	wrdreg $0xFFFFFFFF  }
0xae: {  	[dreg:$0x0] =	wrdreg $0x60  }
0xaf: {  	[dreg:$0x2] =	wrdreg s18  }
0xb0: {  	[dreg:$0x3] =	wrdreg s2  }
0xb1: {  	[dreg:$0x4] =	wrdreg s24  }
0xb2: {  	[dreg:$0x5] =	wrdreg $0x0  }
0xb3: {  	[dreg:$0x6] =	wrdreg $0x9  }
0xb4: {  	_ =	task.clear_ibuf [dreg:s8], $0x7FFFF;
	_ =	strace $0x90000046  }
0xb5: {  	s29 =	simm.s32 $0x9;
	_ =	strace $0x80000048  }
0xb6: {  	_ =	swait.ge [sflag:s29], $0x1  }
0xb7: {  	[sflag:s29] =	ssyncadd.s32 $0xFFFFFFFF  }
0xb8: {  	_ =	strace $0x90000048  }
0xb9: {  	_ =	sfence  }
0xba: {  	s30 =	sld [smem:$0x0];
	_ =	sdelay $0x2  }
0xbb: {  	s31 =	sshll.u32 s1, $0xD;
	s1 =	sshrl.u32 s1, $0x2  }
0xbc: {  	s3 =	sand.u32 $0x4000, s31;
	s1 =	sadd.s32 s1, s30  }
0xbd: {  	s0 =	sor.u32 s3, s0;
	s1 =	sshll.u32 s1, $0x11  }
0xbe: {  	s0 =	sor.u32 s1, s0  }
0xbf: {  	s0 =	sadd.s32 $0x8F2B, s0  }
0xc0: {  	[sflag:s0] =	ssyncadd.remote.s32 $0x1  }
0xc1: {  	_ =	sfence.sel $0xFFFF  }
0xc2: {  	[dreg:$0x0] =	wrdreg $0xFFFFFFFF;
	(pc) =	sbr.abs _section_cstart, $3  }
0xc3: {  	[dreg:$0x1] =	wrdreg $0xFFFFFFFF  }
0xc4: {  	_ =	task.clear_ibuf [dreg:s8], $0x2FFFF;
	_ =	strace $0x9FFFFFFF  }
0xc5: {  	(tm) =	ssettm $0x7FFFFFFF  }
tec
execute0_lowered:
.L_overlay_start_1:
0x0: {  	(tag) =	ssettag $0x1  }
0x1: {  	s1 =	rddreg [dreg:$0x0]  }
0x2: {  	s0 =	rddreg [dreg:$0x2]  }
0x3: {  	s2 =	rddreg [dreg:$0x3];
	s3 =	simm.s32 $0x0  }
0x4: {  	s4 =	stileid.u32;
	s6 =	srdreg.scid;
	s13 =	simm.s32 $0xD  }
0x5: {  	s28 =	simm.s32 $0x13900;
	s29 =	simm.s32 $0x2;
	s30 =	simm.s32 $0x17900  }
0x6: {  	s31 =	simm.s32 $0x3;
	[smem:$0x7FF] =	sst s3;
	s5 =	sshll.u32 s4, $0x5  }
0x7: {  	s6 =	sand.u32 $0x1, s6;
	s7 =	sshll.u32 s4, $0x1;
	s8 =	sshrl.u32 s4, $0x2  }
0x8: {  	s12 =	smul.u32 $0x271000, s4;
	p0 =	sne.s32 s4, $0x0;
	s4 =	simm.s32 $0x9  }
0x9: {  	_ =	strace $0x80000047;
	s5 =	sand.u32 $0x180, s5;
	s8 =	smul.u32 $0x4E000, s8  }
0xa: {  	s7 =	sor.u32 s6, s7;
	s9 =	ssub.s32 $0x2, s6;
	s6 =	smul.u32 $0x138800, s6  }
0xb: {  	s5 =	sadd.s32 s5, s0;
	s10 =	smul.u32 $0x138800, s7;
	s0 =	sadd.s32 $0x2A00, s0  }
0xc: {  	s11 =	sshrl.u32 s9, $0x1;
	s7 =	sshll.u32 s7, $0x7;
	s8 =	sshrl.u32 s8, $0x2  }
0xd: {  	s9 =	ssub.s32 s9, s11;
	s7 =	sand.u32 $0x380, s7;
	s6 =	sadd.s32 s6, s12  }
0xe: {  	s5 =	sadd.s32 $0x2400, s5;
	s8 =	sadd.s32 s8, s2;
	s15 =	sshrl.u32 s10, $0x3  }
0xf: {  	[dreg:$0x6] =	wrdreg s5;
	s17 =	sadd.s32 $0x8000, s6;
	s19 =	smax.u32 s9, $0x1  }
0x10: {  	s20 =	sadd.s32 $0x4000, s6;
	s21 =	sshrl.u32 s6, $0x3;
	s22 =	sadd.s32 $0x14000, s6  }
0x11: {  	s25 =	sadd.s32 $0x10000, s6;
	s6 =	sadd.s32 $0xC000, s6;
	s8 =	sadd.s32 s7, s8  }
0x12: {  	s16 =	sadd.s32 s0, s15;
	s7 =	sadd.s32 $0x7500, s7;
	[dreg:$0x9] =	wrdreg s19  }
0x13: {  	s18 =	sshrl.u32 s17, $0x3;
	s23 =	sadd.s32 s21, s0;
	[dreg:$0x5] =	wrdreg s8  }
0x14: {  	s24 =	sshrl.u32 s22, $0x3;
	s6 =	sshrl.u32 s6, $0x3;
	[dreg:$0x7] =	wrdreg s7  }
0x15: {  	s21 =	simm.s32 $0x7900;
	s5 =	sadd.s32 $0x27000, s16;
	[dreg:$0xc] =	wrdreg s23  }
0x16: {  	s17 =	simm.s32 $0x7;
	[dreg:$0x8] =	wrdreg s5;
	s5 =	sadd.s32 s18, s0  }
0x17: {  	s22 =	simm.s32 $0x8;
	[dreg:$0xa] =	wrdreg s5;
	s5 =	sshrl.u32 s20, $0x3  }
0x18: {  	s16 =	simm.s32 $0x80;
	s23 =	simm.s32 $0xB900;
	s5 =	sadd.s32 s5, s0  }
0x19: {  	s8 =	simm.s32 $0x0;
	[dreg:$0xb] =	wrdreg s5;
	s5 =	sadd.s32 s24, s0  }
.Ltmp0:
0x1a: {  	[dreg:$0xd] =	wrdreg s5;
	s5 =	sshrl.u32 s25, $0x3;
	(pc) =	sbr.rel .LBB2_1-.Ltmp0, $4  }
0x1b: {  	s20 =	simm.s32 $0x5;
	s24 =	simm.s32 $0x6;
	s26 =	sadd.s32 s5, s0  }
0x1c: {  	s25 =	simm.s32 $0xF900;
	s0 =	sadd.s32 s6, s0;
	[dreg:$0xe] =	wrdreg s26  }
0x1d: {  	[dreg:$0xf] =	wrdreg s0;
	s0 =	sshrl.u32 @!p0 s2, $0x3;
	s26 =	simm.s32 $0x1  }
0x1e: {  	s2 =	simm.s32 $0x4;
	[dreg:$0x10] =	wrdreg s0;
	s0 =	simm.s32 $0x1B900  }
.LBB2_4:
0x1f: {  	s5 =	simm.s32 $0xA  }
0x20: {  	_ =	swait.ge [sflag:s5], $0x4000  }
0x21: {  	[sflag:s5] =	ssyncset.done $0x0  }
0x22: {  	s13 =	simm.s32 $0xB;
	[sflag:s5] =	ssyncadd.s32 $0xFFFFC000  }
0x23: {  	_ =	swait.ge [sflag:s13], $0x4000  }
0x24: {  	[sflag:s13] =	ssyncset.done $0x0  }
0x25: {  	s14 =	simm.s32 $0xC;
	[sflag:s13] =	ssyncadd.s32 $0xFFFFC000  }
0x26: {  	_ =	swait.ge [sflag:s14], $0x4000  }
0x27: {  	[sflag:s14] =	ssyncset.done $0x0  }
0x28: {  	s6 =	simm.s32 $0x10;
	s15 =	rddreg [dreg:$0x7];
	[sflag:s14] =	ssyncadd.s32 $0xFFFFC000  }
0x29: {  	[tilespmem:s21], [sflag:$0x1] =	stream.indirect.gather [hbm4b:s1+s6], $0x80, s15, s6, $0xb8;
	[tilespmem:$0x1F900] =	vst v63  }
0x2a: {  	_ =	swait.ge [sflag:s26], $0x800  }
0x2b: {  	[sflag:s26] =	ssyncset.done $0x0  }
0x2c: {  	s13 =	simm.s32 $0xD;
	s18 =	rddreg [dreg:$0x8];
	[sflag:s26] =	ssyncadd.s32 $0xFFFFF800  }
0x2d: {  	[hbm4b:s18+s3] =	stream.linear.scatter [tilespmem:s21], [sflag:$0xD], $0x800, $0x38;
	[tilespmem:$0x1F900] =	vst v63  }
0x2e: {  	_ =	swait.ge [sflag:s13], $0x800  }
0x2f: {  	s8 =	sadd.s32 $0x1, s8;
	s19 =	rddreg [dreg:$0x9]  }
0x30: {  	p1 =	sne.s32 s8, s19  }
.Ltmp1:
0x31: {  	_ = 	snop;
	(pc) =	sbr.rel @!p1 .LBB2_5-.Ltmp1, $3  }
0x32: {  	_ =	sdelay $0x1  }
0x33: {  	[sflag:s13] =	ssyncset.done $0x0  }
0x34: {  	[sflag:s13] =	ssyncadd.s32 $0xFFFFF800  }
.LBB2_1:
0x35: {  	s9 =	simm.s32 @!p0 $0x270;
	s10 =	simm.s32 @!p0 $0x2700;
	s5 =	rddreg [dreg:$0x1]  }
0x36: {  	s11 =	simm.s32 @!p0 $0x2780;
	s12 =	simm.s32 @!p0 $0x1C0D;
	s6 =	rddreg [dreg:$0x10]  }
0x37: {  	[spmem:s6@s10], [sflag:s12] =	dma.strided @!p0 [hbm:s5@s11], $0x9C00, s9, $0x10   }
0x38: {  	s9 =	simm.s32 @!p0 $0xD  }
0x39: {  	_ =	swait.ge @!p0 [sflag:s9], $0x9C00  }
0x3a: {  	[sflag:s9] =	ssyncset.done @!p0 $0x0  }
0x3b: {  	[sflag:s9] =	ssyncadd.s32 @!p0 $0xFFFF6400  }
0x3c: {  	[bflag:$0x0] =	sbarrier.arrive $0xFFFF  }
0x3d: {  	s7 =	simm.s32 $0x4E00;
	s12 =	simm.s32 $0x400;
	s11 =	rddreg [dreg:$0x5]  }
0x3e: {  	[tilespmem:s7], [sflag:$0xD] =	stream.strided.gather [spmem:s11], $0x2700, s12, s16, $0x38;
	[tilespmem:$0x1F900] =	vst v63  }
0x3f: {  	_ =	swait.ge [sflag:s13], $0x2700  }
0x40: {  	[sflag:s13] =	ssyncset.done $0x0  }
0x41: {  	s15 =	simm.s32 $0x7500;
	s14 =	rddreg [dreg:$0x6];
	[sflag:s13] =	ssyncadd.s32 $0xFFFFD900  }
0x42: {  	[tilespmem:s15], [sflag:$0xD] =	stream.linear.gather [hbm4b:s14+s3], $0x400, $0x38;
	[tilespmem:$0x1F900] =	vst v63  }
0x43: {  	_ =	swait.ge [sflag:s13], $0x400  }
0x44: {  	s14 =	rddreg [dreg:$0xf]  }
0x45: {  	s12 =	rddreg [dreg:$0xd]  }
0x46: {  	[sflag:s13] =	ssyncset.done $0x0;
	s11 =	rddreg [dreg:$0xc]  }
0x47: {  	s10 =	rddreg [dreg:$0xb];
	[sflag:s13] =	ssyncadd.s32 $0xFFFFFC00  }
0x48: {  	[tilespmem:s21], [sflag:$0x1] =	stream.indirect.gather [hbm4b:s1+s16], $0x80, s7, s16, $0xb8;
	[tilespmem:$0x1F900] =	vst v63  }
0x49: {  	s18 =	simm.s32 $0x4E80;
	s15 =	rddreg [dreg:$0xa]  }
0x4a: {  	[tilespmem:s23], [sflag:$0x2] =	stream.indirect.gather [hbm4b:s1+s16], $0x80, s18, s16, $0xb8;
	[tilespmem:$0x1F900] =	vst v63  }
0x4b: {  	s19 =	simm.s32 $0x4F00;
	s13 =	rddreg [dreg:$0xe];
	s18 =	simm.s32 $0x0  }
0x4c: {  	[tilespmem:s25], [sflag:$0x3] =	stream.indirect.gather [hbm4b:s1+s16], $0x80, s19, s16, $0xb8;
	[tilespmem:$0x1F900] =	vst v63  }
.LBB2_2:
0x4d: {  	_ =	swait.ge [sflag:s26], $0x4000  }
0x4e: {  	p1 =	seq.s32 s18, $0x0;
	[sflag:s26] =	ssyncset.done $0x0  }
0x4f: {  	s5 =	simm.s32 @!p1 $0xA;
	[sflag:s26] =	ssyncadd.s32 $0xFFFFC000  }
0x50: {  	[hbm4b:s11+s3] =	stream.linear.scatter [tilespmem:s21], [sflag:$0x7], $0x4000, $0x38;
	[tilespmem:$0x1F900] =	vst v63  }
0x51: {  	_ =	swait.ge @!p1 [sflag:s5], $0x4000  }
0x52: {  	s9 =	sshra.s32 s18, $0x2;
	[sflag:s5] =	ssyncset.done @!p1 $0x0  }
0x53: {  	s6 =	sadd.s32 $0x4F80, s9;
	[sflag:s5] =	ssyncadd.s32 @!p1 $0xFFFFC000  }
0x54: {  	[tilespmem:s28], [sflag:$0x4] =	stream.indirect.gather [hbm4b:s1+s16], $0x80, s6, s16, $0xb8;
	[tilespmem:$0x1F900] =	vst v63  }
0x55: {  	_ =	swait.ge [sflag:s29], $0x4000  }
0x56: {  	[sflag:s29] =	ssyncset.done $0x0  }
0x57: {  	s5 =	simm.s32 @!p1 $0xB;
	[sflag:s29] =	ssyncadd.s32 $0xFFFFC000  }
0x58: {  	[hbm4b:s10+s3] =	stream.linear.scatter [tilespmem:s23], [sflag:$0x8], $0x4000, $0x38;
	[tilespmem:$0x1F900] =	vst v63  }
0x59: {  	_ =	swait.ge @!p1 [sflag:s5], $0x4000  }
0x5a: {  	[sflag:s5] =	ssyncset.done @!p1 $0x0  }
0x5b: {  	s7 =	sadd.s32 $0x5000, s9;
	[sflag:s5] =	ssyncadd.s32 @!p1 $0xFFFFC000  }
0x5c: {  	[tilespmem:s30], [sflag:$0x5] =	stream.indirect.gather [hbm4b:s1+s16], $0x80, s7, s16, $0xb8;
	[tilespmem:$0x1F900] =	vst v63  }
0x5d: {  	_ =	swait.ge [sflag:s31], $0x4000  }
0x5e: {  	[sflag:s31] =	ssyncset.done $0x0  }
0x5f: {  	s5 =	simm.s32 @!p1 $0xC;
	[sflag:s31] =	ssyncadd.s32 $0xFFFFC000  }
0x60: {  	[hbm4b:s15+s3] =	stream.linear.scatter [tilespmem:s25], [sflag:$0x9], $0x4000, $0x38;
	[tilespmem:$0x1F900] =	vst v63  }
0x61: {  	_ =	swait.ge @!p1 [sflag:s5], $0x4000  }
0x62: {  	[sflag:s5] =	ssyncset.done @!p1 $0x0  }
0x63: {  	s19 =	sadd.s32 $0x5080, s9;
	[sflag:s5] =	ssyncadd.s32 @!p1 $0xFFFFC000  }
0x64: {  	[tilespmem:s0], [sflag:$0x6] =	stream.indirect.gather [hbm4b:s1+s16], $0x80, s19, s16, $0xb8;
	[tilespmem:$0x1F900] =	vst v63  }
0x65: {  	_ =	swait.ge [sflag:s2], $0x4000  }
0x66: {  	[sflag:s2] =	ssyncset.done $0x0  }
0x67: {  	[sflag:s2] =	ssyncadd.s32 $0xFFFFC000  }
0x68: {  	[hbm4b:s14+s3] =	stream.linear.scatter [tilespmem:s28], [sflag:$0xA], $0x4000, $0x38;
	[tilespmem:$0x1F900] =	vst v63  }
0x69: {  	p1 =	seq.s32 s18, $0x9000;
	_ =	swait.ge [sflag:s17], $0x4000  }
0x6a: {  	s5 =	sshra.s32 @!p1 s18, $0x2;
	s7 =	simm.s32 @!p1 $0x80;
	[sflag:s17] =	ssyncset.done $0x0  }
0x6b: {  	s19 =	simm.s32 @!p1 $0x7900;
	s6 =	sadd.s32 @!p1 $0x5100, s5;
	[sflag:s17] =	ssyncadd.s32 $0xFFFFC000  }
0x6c: {  	[tilespmem:s19], [sflag:$0x1] =	stream.indirect.gather @!p1 [hbm4b:s1+s7], $0x80, s6, s7, $0xb8;
	[tilespmem:$0x1F900] =	vst v63  }
0x6d: {  	_ =	swait.ge [sflag:s20], $0x4000  }
0x6e: {  	[sflag:s20] =	ssyncset.done $0x0  }
0x6f: {  	[sflag:s20] =	ssyncadd.s32 $0xFFFFC000  }
0x70: {  	[hbm4b:s13+s3] =	stream.linear.scatter [tilespmem:s30], [sflag:$0xB], $0x4000, $0x38;
	[tilespmem:$0x1F900] =	vst v63  }
0x71: {  	_ =	swait.ge [sflag:s22], $0x4000  }
0x72: {  	[sflag:s22] =	ssyncset.done $0x0  }
0x73: {  	s5 =	sadd.s32 @!p1 $0x5180, s5;
	s6 =	simm.s32 @!p1 $0xB900;
	[sflag:s22] =	ssyncadd.s32 $0xFFFFC000  }
0x74: {  	[tilespmem:s6], [sflag:$0x2] =	stream.indirect.gather @!p1 [hbm4b:s1+s7], $0x80, s5, s7, $0xb8;
	[tilespmem:$0x1F900] =	vst v63  }
0x75: {  	_ =	swait.ge [sflag:s24], $0x4000  }
0x76: {  	[sflag:s24] =	ssyncset.done $0x0  }
.Ltmp2:
0x77: {  	[sflag:s24] =	ssyncadd.s32 $0xFFFFC000;
	(pc) =	sbr.rel @p1 .LBB2_4-.Ltmp2, $4  }
0x78: {  	[hbm4b:s12+s3] =	stream.linear.scatter [tilespmem:s0], [sflag:$0xC], $0x4000, $0x38;
	[tilespmem:$0x1F900] =	vst v63  }
0x79: {  	_ =	swait.ge [sflag:s4], $0x4000  }
0x7a: {  	[sflag:s4] =	ssyncset.done $0x0  }
0x7b: {  	[sflag:s4] =	ssyncadd.s32 $0xFFFFC000  }
.Ltmp3:
0x7c: {  	(pc) =	sbr.rel .LBB2_2-.Ltmp3, $4  }
0x7d: {  	s5 =	sadd.s32 $0x5200, s9;
	s18 =	sadd.s32 $0xC00, s18  }
0x7e: {  	s15 =	sadd.s32 $0x3000, s15;
	s10 =	sadd.s32 $0x3000, s10;
	s11 =	sadd.s32 $0x3000, s11  }
0x7f: {  	s12 =	sadd.s32 $0x3000, s12;
	s13 =	sadd.s32 $0x3000, s13;
	s14 =	sadd.s32 $0x3000, s14  }
0x80: {  	[tilespmem:s25], [sflag:$0x3] =	stream.indirect.gather [hbm4b:s1+s16], $0x80, s5, s16, $0xb8;
	[tilespmem:$0x1F900] =	vst v63  }
.LBB2_5:
0x81: {  	_ =	sfence.sel $0x180000  }
0x82: {  	[bflag:$0x0] =	sbarrier.arrive $0xFFFF  }
0x83: {  	_ =	strace $0x90000047  }
0x84: {  	[bflag:$0x2] =	sbarrier.arrive $0xFFFF  }
0x85: {  	s0 =	rddreg [dreg:$0x4]  }
0x86: {  	s0 =	sadd.s32 @!p0 $0x100000, s0  }
0x87: {  	[sflag:s0] =	ssyncadd.tile.s32 @!p0 $0x1;
	_ =	shalt  }
.Lfunc_end2:
_tile_overlayer_lowered:
.L_overlay_start_2:
0x88: {  	(tag) =	ssettag $0x2  }
0x89: {  	s0 =	rddreg [dreg:$0x0];
	s2 =	stileid.u32  }
0x8a: {  	s1 =	rddreg [dreg:$0x1];
	p0 =	sne.s32 s2, $0x0  }
0x8b: {  	s3 =	rddreg [dreg:$0x2];
	[bflag:$0x3] =	sbarrier.arrive $0xFFFF;
	s2 =	simm.s32 @!p0 $0x1C0D  }
0x8c: {  	[timem:s3], [sflag:s2] =	dma.local @!p0 [hbm:s0], s1  }
0x8d: {  	s0 =	simm.s32 @!p0 $0xD  }
0x8e: {  	_ =	swait.ge @!p0 [sflag:s0], s1  }
0x8f: {  	s1 =	ssub.s32 @!p0 $0x0, s1;
	[sflag:s0] =	ssyncset.done @!p0 $0x0  }
0x90: {  	[sflag:s0] =	ssyncadd.s32 @!p0 s1  }
0x91: {  	[bflag:$0x3] =	sbarrier.arrive $0xFFFF  }
0x92: {  	_ =	shalt  }

</sc_bundles>
